<compile_context>
chip_gen: v7x
topology: tpu7x:2x2x1
jax: 0.10.2.dev20260603
libtpu: 0.0.44.dev20260713+nightly
codegen_flags: <defaults>
</compile_context>

<pallas_src>
import functools

import jax
import jax.numpy as jnp
from jax import lax
from jax.experimental import pallas as pl
from jax.experimental.pallas import tpu as pltpu
from jax.experimental.pallas import tpu_sc as plsc

Nu, Nm, E, D, H, C = 5000, 5000, 320000, 128, 128, 2
MOFF = 5120
NP = 2 * MOFF
NC, NS = 2, 16
NT = NC * NS
EPT = E // NT
KA = 200
NKA = EPT // KA
NBUF = 2
ROWS_PT = MOFF // NS

_mesh = plsc.VectorSubcoreMesh(core_axis_name="c", subcore_axis_name="s")



def _deg_body(col_hbm, out_hbm, acc_v, cidx_v):
    cid = lax.axis_index("c")
    sid = lax.axis_index("s")
    wid = cid * NS + sid

    @pl.loop(0, MOFF // 16)
    def _zero(i):
        acc_v[pl.ds(i * 16, 16)] = jnp.zeros((16,), jnp.float32)

    base = wid * EPT
    ones = jnp.ones((16,), jnp.float32)

    @pl.loop(0, NKR)
    def _chunks(k):
        pltpu.sync_copy(col_hbm.at[pl.ds(base + k * KR, KR)], cidx_v)

        @pl.loop(0, KR // 16)
        def _steps(j):
            iv = cidx_v[pl.ds(j * 16, 16)]
            plsc.addupdate_scatter(acc_v, [iv], ones)

    pltpu.sync_copy(acc_v, out_hbm.at[wid])


def _agg_body(z_hbm, row_hbm, col_hbm, zeros_hbm, out_hbm,
                ridx_v, cidx0_v, cidx1_v, rows0_v, rows1_v, agg_sh,
                gsem0, gsem1, isem0, isem1):
    cid = lax.axis_index("c")
    sid = lax.axis_index("s")
    wid = cid * NS + sid
    pltpu.sync_copy(zeros_hbm, agg_sh.at[pl.ds(sid * ROWS_PT, ROWS_PT)])
    base = wid * EPT
    pltpu.sync_copy(row_hbm.at[pl.ds(base, EPT)], ridx_v)
    plsc.subcore_barrier()

    cbufs = (cidx0_v, cidx1_v)
    rbufs = (rows0_v, rows1_v)
    gsems = (gsem0, gsem1)
    isems = (isem0, isem1)

    def _issue(k, b):
        pltpu.async_copy(col_hbm.at[pl.ds(base + k * KA, KA)],
                         cbufs[b], isems[b])
        pltpu.async_copy(z_hbm.at[ridx_v.at[pl.ds(k * KA, KA)]],
                         rbufs[b], gsems[b])

    for b in range(NBUF):
        _issue(b, b)

    @pl.loop(0, NKA // NBUF)
    def _groups(g):
        for b in range(NBUF):
            k = g * NBUF + b
            pltpu.make_async_copy(col_hbm.at[pl.ds(base + k * KA, KA)],
                                  cbufs[b], isems[b]).wait()
            pltpu.make_async_copy(z_hbm.at[ridx_v.at[pl.ds(k * KA, KA)]],
                                  rbufs[b], gsems[b]).wait()
            pltpu.sync_copy(rbufs[b], agg_sh.at[cbufs[b]], add=True)

            @pl.when(k + NBUF < NKA)
            def _():
                _issue(k + NBUF, b)

    plsc.subcore_barrier()
    pltpu.sync_copy(agg_sh.at[pl.ds(sid * ROWS_PT, ROWS_PT)],
                    out_hbm.at[cid, pl.ds(sid * ROWS_PT, ROWS_PT)])


KR = 400
NKR = EPT // KR

GRP = 128
CGR = 4
CED = CGR * GRP
NCH = E // CED
ITR = (NCH + NT - 1) // NT


def _readout_body(tab_hbm, row_hbm, col_hbm, out_hbm,
                    tab_v, ridx_v, cidx_v, obuf_v):
    cid = lax.axis_index("c")
    sid = lax.axis_index("s")
    wid = cid * NS + sid
    pltpu.sync_copy(tab_hbm, tab_v)

    @pl.loop(0, ITR)
    def _iters(t):
        ch = t * NT + wid

        @pl.when(ch < NCH)
        def _():
            eb = ch * CED
            pltpu.sync_copy(row_hbm.at[pl.ds(eb, CED)], ridx_v)
            pltpu.sync_copy(col_hbm.at[pl.ds(eb, CED)], cidx_v)

            @pl.loop(0, CGR)
            def _grp(q):
                @pl.loop(0, GRP // 16)
                def _vec(jj):
                    o = q * GRP + jj * 16
                    rv = ridx_v[pl.ds(o, 16)]
                    cv = cidx_v[pl.ds(o, 16)] + MOFF
                    v0 = plsc.load_gather(tab_v, [rv]) \
                        + plsc.load_gather(tab_v, [cv + 2 * NP])
                    v1 = plsc.load_gather(tab_v, [rv + NP]) \
                        + plsc.load_gather(tab_v, [cv + 3 * NP])
                    obuf_v[pl.ds(2 * q * GRP + jj * 16, 16)] = v0
                    obuf_v[pl.ds(2 * q * GRP + GRP + jj * 16, 16)] = v1

            pltpu.sync_copy(obuf_v, out_hbm.at[pl.ds(2 * eb, 2 * CED)])


_DEG_KW = dict(
    out_type=jax.ShapeDtypeStruct((NT, MOFF), jnp.float32),
    mesh=_mesh,
    scratch_types=[
        pltpu.VMEM((MOFF,), jnp.float32),
        pltpu.VMEM((KR,), jnp.int32),
    ],
    compiler_params=pltpu.CompilerParams(needs_layout_passes=False),
)
_AGG_KW = dict(
    out_type=jax.ShapeDtypeStruct((NC, MOFF, D), jnp.float32),
    mesh=_mesh,
    scratch_types=[
        pltpu.VMEM((EPT,), jnp.int32),
        pltpu.VMEM((KA,), jnp.int32),
        pltpu.VMEM((KA,), jnp.int32),
        pltpu.VMEM((KA, D), jnp.float32),
        pltpu.VMEM((KA, D), jnp.float32),
        pltpu.VMEM_SHARED((MOFF, D), jnp.float32),
        pltpu.SemaphoreType.DMA,
        pltpu.SemaphoreType.DMA,
        pltpu.SemaphoreType.DMA,
        pltpu.SemaphoreType.DMA,
    ],
)
_READOUT_KW = dict(
    out_type=jax.ShapeDtypeStruct((2 * E,), jnp.float32),
    mesh=_mesh,
    scratch_types=[
        pltpu.VMEM((4 * NP,), jnp.float32),
        pltpu.VMEM((CED,), jnp.int32),
        pltpu.VMEM((CED,), jnp.int32),
        pltpu.VMEM((2 * CED,), jnp.float32),
    ],
    compiler_params=pltpu.CompilerParams(needs_layout_passes=False),
)

_deg_kernel = pl.kernel(_deg_body, **_DEG_KW)
_agg_kernel = pl.kernel(_agg_body, **_AGG_KW)
_readout_kernel = pl.kernel(_readout_body, **_READOUT_KW)



BLK = 512
NBLK = NP // BLK
UBLK = MOFF // BLK


def _dis_from_cnt(cnt_blk, b):
    cnt0 = lax.dot_general(cnt_blk, jnp.ones((NT, 1), jnp.float32),
                           (((0,), (0,)), ((), ())),
                           preferred_element_type=jnp.float32)
    cnt0 = jnp.where(b < UBLK, cnt0, 0.0)
    return lax.rsqrt(1.0 + cnt0)


def _mm_nt(a, w):
    return lax.dot_general(a, w, (((1,), (1,)), ((), ())),
                           preferred_element_type=jnp.float32)


def _z1_body(x_ref, wu_ref, bu_ref, wm_ref, bm_ref, wc_ref, bc_ref, cnt_ref,
             z_ref):
    b = pl.program_id(0)
    is_user = b < UBLK
    wp = jnp.where(is_user, wu_ref[...], wm_ref[...])
    bp = jnp.where(is_user, bu_ref[...], bm_ref[...])
    h = _mm_nt(x_ref[...], wp) + bp
    hc = _mm_nt(h, wc_ref[...]) + bc_ref[...]
    z_ref[...] = _dis_from_cnt(cnt_ref[...], b) * hc


def _z2_body(z_ref, p_ref, cnt_ref, wc_ref, bc_ref, z2_ref):
    b = pl.program_id(0)
    edge = jnp.where(b < UBLK, p_ref[0] + p_ref[1], 0.0)
    dis = _dis_from_cnt(cnt_ref[...], b)
    x1 = jnp.maximum(dis * (z_ref[...] + edge), 0.0)
    z2_ref[...] = dis * (_mm_nt(x1, wc_ref[...]) + bc_ref[...])


def _proj_body(z_ref, p_ref, cnt_ref, we_ref, be_ref, t_ref):
    b = pl.program_id(0)
    edge = jnp.where(b < UBLK, p_ref[0] + p_ref[1], 0.0)
    dis = _dis_from_cnt(cnt_ref[...], b)
    x2 = jnp.maximum(dis * (z_ref[...] + edge), 0.0)
    t_ref[...] = lax.dot_general(we_ref[...], x2, (((1,), (1,)), ((), ())),
                                 preferred_element_type=jnp.float32) \
        + be_ref[...][:, 0:1]


def _full(shape):
    return pl.BlockSpec(shape, lambda b: tuple(0 for _ in shape))


_row_spec = pl.BlockSpec((BLK, D), lambda b: (b, 0))
_cnt_spec = pl.BlockSpec((NT, BLK),
                         lambda b: (0, jnp.minimum(b, UBLK - 1)))
_p_spec = pl.BlockSpec((NC, BLK, D),
                       lambda b: (0, jnp.minimum(b, UBLK - 1), 0))



def kernel(x_user, x_movie, edge_index, W_user, b_user, W_movie, b_movie,
           W_conv0, b_conv0, W_conv1, b_conv1, W_edge, b_edge):
    f32 = jnp.float32
    row = edge_index[0]
    col = edge_index[1]
    x_p = jnp.zeros((NP, D), f32)
    x_p = x_p.at[:Nu].set(x_user).at[MOFF:MOFF + Nm].set(x_movie)

    zerosD = jnp.zeros((ROWS_PT, D), f32)

    cnt = _deg_kernel(col)

    z1 = pl.pallas_call(
        _z1_body,
        grid=(NBLK,),
        in_specs=[_row_spec, _full((D, D)), _full((1, D)), _full((D, D)),
                  _full((1, D)), _full((D, D)), _full((1, D)), _cnt_spec],
        out_specs=_row_spec,
        out_shape=jax.ShapeDtypeStruct((NP, D), f32),
    )(x_p, W_user, b_user.reshape(1, D), W_movie, b_movie.reshape(1, D),
      W_conv0, b_conv0.reshape(1, D), cnt)

    p1 = _agg_kernel(z1, row, col, zerosD)

    z2 = pl.pallas_call(
        _z2_body,
        grid=(NBLK,),
        in_specs=[_row_spec, _p_spec, _cnt_spec, _full((D, D)), _full((1, D))],
        out_specs=_row_spec,
        out_shape=jax.ShapeDtypeStruct((NP, D), f32),
    )(z1, p1, cnt, W_conv1, b_conv1.reshape(1, D))

    p2 = _agg_kernel(z2, row, col, zerosD)

    w_comb = jnp.zeros((8, D), f32)
    w_comb = w_comb.at[0:2].set(W_edge[:, :H]).at[2:4].set(W_edge[:, H:])
    b_comb = jnp.zeros((8, D), f32)
    b_comb = b_comb.at[0, :].set(b_edge[0]).at[1, :].set(b_edge[1])

    tab = pl.pallas_call(
        _proj_body,
        grid=(NBLK,),
        in_specs=[_row_spec, _p_spec, _cnt_spec, _full((8, D)), _full((8, D))],
        out_specs=pl.BlockSpec((8, BLK), lambda b: (0, b)),
        out_shape=jax.ShapeDtypeStruct((8, NP), f32),
    )(z2, p2, cnt, w_comb, b_comb)

    out = _readout_kernel(tab[:4].reshape(4 * NP), row, col)
    return out.reshape(2 * E // 256, 2, 128).transpose(0, 2, 1).reshape(E, C)

# --- scband reference (transcript-rebuilt; emitter-appended) ---
"""Pipeline reference for scband-mpgnn-88459146428944 (READ-ONLY COPY).

The authoritative reference and input builder live on the scoring server;
editing this copy changes nothing except your own understanding.
"""

import jax, jax.numpy as jnp
import numpy as np

Nu, Nm, E, D, H, C = 5000, 5000, 320000, 128, 128, 2


def setup_inputs(seed: int = 0) -> dict:
    key = jax.random.key(seed)
    ks = jax.random.split(key, 16)
    s = 1.0 / np.sqrt(D)
    s2 = 1.0 / np.sqrt(H)
    s3 = 1.0 / np.sqrt(2 * H)
    return {
        "x_user": jax.random.normal(ks[0], (Nu, D), jnp.float32),
        "x_movie": jax.random.normal(ks[1], (Nm, D), jnp.float32),
        "edge_index": jax.random.randint(ks[2], (2, E), 0, Nu, dtype=jnp.int32),
        "W_user": jax.random.uniform(ks[3], (H, D), jnp.float32, -s, s),
        "b_user": jax.random.uniform(ks[4], (H,), jnp.float32, -s, s),
        "W_movie": jax.random.uniform(ks[5], (H, D), jnp.float32, -s, s),
        "b_movie": jax.random.uniform(ks[6], (H,), jnp.float32, -s, s),
        "W_conv0": jax.random.uniform(ks[7], (H, H), jnp.float32, -s2, s2),
        "b_conv0": jax.random.uniform(ks[8], (H,), jnp.float32, -s2, s2),
        "W_conv1": jax.random.uniform(ks[9], (H, H), jnp.float32, -s2, s2),
        "b_conv1": jax.random.uniform(ks[10], (H,), jnp.float32, -s2, s2),
        "W_edge": jax.random.uniform(ks[11], (C, 2 * H), jnp.float32, -s3, s3),
        "b_edge": jax.random.uniform(ks[12], (C,), jnp.float32, -s3, s3),
    }


def _conv(x, row, col, W, b, N):
    # GNNConv with add_self_loops already folded into (row, col)
    deg = jnp.zeros((N,), x.dtype).at[col].add(1.0)
    deg_inv_sqrt = deg ** -0.5
    norm = deg_inv_sqrt[row] * deg_inv_sqrt[col]
    msg = norm[:, None] * (x[row] @ W.T + b)
    return jnp.zeros((N, W.shape[0]), x.dtype).at[col].add(msg)


def reference(x_user, x_movie, edge_index, W_user, b_user, W_movie, b_movie, W_conv0, b_conv0, W_conv1, b_conv1, W_edge, b_edge):
    N = Nu + Nm
    xu = x_user @ W_user.T + b_user
    xm = x_movie @ W_movie.T + b_movie
    x = jnp.concatenate([xu, xm], axis=0)
    loops = jnp.arange(N, dtype=edge_index.dtype)
    row = jnp.concatenate([edge_index[0], loops])
    col = jnp.concatenate([edge_index[1], loops])
    for W, b in ((W_conv0, b_conv0), (W_conv1, b_conv1)):
        x = _conv(x, row, col, W, b, N)
        x = jax.nn.relu(x)
        # dropout is identity in eval mode
    user_emb = x[:Nu]
    movie_emb = x[Nu:]
    edge_emb = jnp.concatenate([user_emb[edge_index[0]], movie_emb[edge_index[1]]], axis=1)
    return edge_emb @ W_edge.T + b_edge

if __name__ == "__main__":
    import jax
    _d = setup_inputs()
    print(jax.jit(kernel)(*tuple(_d.values())))

</pallas_src>

<mosaic_0001>
#map = affine_map<(d0, d1) -> (0, 0)>
#map1 = affine_map<(d0, d1) -> (0)>
#map2 = affine_map<(d0, d1) -> (0, 0, 0)>
module attributes {stable_mosaic.version = 14 : i64} {
  func.func @_agg_body(%arg0: i32, %arg1: i32, %arg2: memref<10240x128xf32, #tpu.memory_space<hbm>>, %arg3: memref<320000xi32, #tpu.memory_space<hbm>>, %arg4: memref<320000xi32, #tpu.memory_space<hbm>>, %arg5: memref<320x128xf32, #tpu.memory_space<hbm>>, %arg6: memref<2x5120x128xf32, #tpu.memory_space<hbm>>, %arg7: memref<10000xi32, #tpu.memory_space<vmem>>, %arg8: memref<200xi32, #tpu.memory_space<vmem>>, %arg9: memref<200xi32, #tpu.memory_space<vmem>>, %arg10: memref<200x128xf32, #tpu.memory_space<vmem>>, %arg11: memref<200x128xf32, #tpu.memory_space<vmem>>, %arg12: memref<5120x128xf32, #tpu.memory_space<vmem_shared>>, %arg13: memref<!tpu.dma_semaphore, #tpu.memory_space<semaphore_mem>>, %arg14: memref<!tpu.dma_semaphore, #tpu.memory_space<semaphore_mem>>, %arg15: memref<!tpu.dma_semaphore, #tpu.memory_space<semaphore_mem>>, %arg16: memref<!tpu.dma_semaphore, #tpu.memory_space<semaphore_mem>>) attributes {dimension_semantics = [#tpu.dimension_semantics<core_parallel>, #tpu.dimension_semantics<subcore_parallel>], iteration_bounds = array<i64: 2, 16>, scalar_prefetch = 0 : i64, scratch_operands = 10 : i64, tpu.core_type = #tpu.core_type<sc_vector_subcore>, window_params = [{transform_indices = #map}, {transform_indices = #map1}, {transform_indices = #map1}, {transform_indices = #map}, {transform_indices = #map2}]} {
    %mul3A = arith.constant 16 : i32
    %mul3A_0 = arith.muli %arg0, %mul3A : i32
    %add3A = arith.addi %mul3A_0, %arg1 : i32
    %mul3A_1 = arith.constant 320 : i32
    %mul3A_2 = arith.muli %arg1, %mul3A_1 : i32
    "tpu.region"() ({
      %run_scoped3A = tpu.sem_alloc : memref<!tpu.dma_semaphore, #tpu.memory_space<semaphore_mem>>
      %dma_start3A_31 = arith.constant 0 : i32
      %dma_start3A_32 = tpu.memref_slice %arg12[%mul3A_2, %dma_start3A_31] : memref<5120x128xf32, #tpu.memory_space<vmem_shared>> -> memref<320x128xf32, #tpu.memory_space<vmem_shared>>
      tpu.enqueue_dma source(%arg5 : memref<320x128xf32, #tpu.memory_space<hbm>>) target(%dma_start3A_32 : memref<320x128xf32, #tpu.memory_space<vmem_shared>>) target_semaphore(%run_scoped3A : memref<!tpu.dma_semaphore, #tpu.memory_space<semaphore_mem>>)
      %dma_wait3A = arith.constant 0 : i32
      %dma_wait3A_33 = tpu.memref_slice %arg12[%mul3A_2, %dma_wait3A] : memref<5120x128xf32, #tpu.memory_space<vmem_shared>> -> memref<320x128xf32, #tpu.memory_space<vmem_shared>>
      tpu.wait_dma2 semaphore(%run_scoped3A : memref<!tpu.dma_semaphore, #tpu.memory_space<semaphore_mem>>) src(%arg5 : memref<320x128xf32, #tpu.memory_space<hbm>>) dst(%dma_wait3A_33 : memref<320x128xf32, #tpu.memory_space<vmem_shared>>)
      tpu.yield
    }) : () -> ()
    %mul3A_3 = arith.constant 10000 : i32
    %mul3A_4 = arith.muli %add3A, %mul3A_3 : i32
    "tpu.region"() ({
      %run_scoped3A = tpu.sem_alloc : memref<!tpu.dma_semaphore, #tpu.memory_space<semaphore_mem>>
      %dma_start3A_31 = tpu.memref_slice %arg3[%mul3A_4] : memref<320000xi32, #tpu.memory_space<hbm>> -> memref<10000xi32, #tpu.memory_space<hbm>>
      %dma_start3A_32 = tpu.memref_slice %arg3[%mul3A_4] : memref<320000xi32, #tpu.memory_space<hbm>> -> memref<10000xi32, #tpu.memory_space<hbm>>
      tpu.enqueue_dma source(%dma_start3A_32 : memref<10000xi32, #tpu.memory_space<hbm>>) target(%arg7 : memref<10000xi32, #tpu.memory_space<vmem>>) target_semaphore(%run_scoped3A : memref<!tpu.dma_semaphore, #tpu.memory_space<semaphore_mem>>)
      %dma_wait3A = tpu.memref_slice %arg3[%mul3A_4] : memref<320000xi32, #tpu.memory_space<hbm>> -> memref<10000xi32, #tpu.memory_space<hbm>>
      %dma_wait3A_33 = tpu.memref_slice %arg3[%mul3A_4] : memref<320000xi32, #tpu.memory_space<hbm>> -> memref<10000xi32, #tpu.memory_space<hbm>>
      tpu.wait_dma2 semaphore(%run_scoped3A : memref<!tpu.dma_semaphore, #tpu.memory_space<semaphore_mem>>) src(%dma_wait3A_33 : memref<10000xi32, #tpu.memory_space<hbm>>) dst(%arg7 : memref<10000xi32, #tpu.memory_space<vmem>>)
      tpu.yield
    }) : () -> ()
    %barrier3A = arith.constant 0 : index
    tpu.barrier barrier_id(%barrier3A)
    %add3A_5 = arith.constant 0 : i32
    %add3A_6 = arith.addi %mul3A_4, %add3A_5 : i32
    %dma_start3A = tpu.memref_slice %arg4[%add3A_6] : memref<320000xi32, #tpu.memory_space<hbm>> -> memref<200xi32, #tpu.memory_space<hbm>>
    %dma_start3A_7 = tpu.memref_slice %arg4[%add3A_6] : memref<320000xi32, #tpu.memory_space<hbm>> -> memref<200xi32, #tpu.memory_space<hbm>>
    tpu.enqueue_dma source(%dma_start3A_7 : memref<200xi32, #tpu.memory_space<hbm>>) target(%arg8 : memref<200xi32, #tpu.memory_space<vmem>>) target_semaphore(%arg15 : memref<!tpu.dma_semaphore, #tpu.memory_space<semaphore_mem>>)
    %dma_start3A_8 = arith.constant 0 : i32
    %dma_start3A_9 = tpu.memref_slice %arg7[%dma_start3A_8] : memref<10000xi32, #tpu.memory_space<vmem>> -> memref<200xi32, #tpu.memory_space<vmem>>
    %dma_start3A_10 = arith.constant 0 : i32
    %dma_start3A_11 = arith.constant 0 : i32
    %dma_start3A_12 = tpu.memref_slice %arg2[%dma_start3A_10, %dma_start3A_11] : memref<10240x128xf32, #tpu.memory_space<hbm>> -> memref<10240x128xf32, #tpu.memory_space<hbm>>
    tpu.enqueue_indirect_dma source(%dma_start3A_12 : memref<10240x128xf32, #tpu.memory_space<hbm>>) target(%arg10 : memref<200x128xf32, #tpu.memory_space<vmem>>) offsets(%dma_start3A_9 : memref<200xi32, #tpu.memory_space<vmem>>) semaphore(%arg13 : memref<!tpu.dma_semaphore, #tpu.memory_space<semaphore_mem>>)
    %add3A_13 = arith.constant 200 : i32
    %add3A_14 = arith.addi %mul3A_4, %add3A_13 : i32
    %dma_start3A_15 = tpu.memref_slice %arg4[%add3A_14] : memref<320000xi32, #tpu.memory_space<hbm>> -> memref<200xi32, #tpu.memory_space<hbm>>
    %dma_start3A_16 = tpu.memref_slice %arg4[%add3A_14] : memref<320000xi32, #tpu.memory_space<hbm>> -> memref<200xi32, #tpu.memory_space<hbm>>
    tpu.enqueue_dma source(%dma_start3A_16 : memref<200xi32, #tpu.memory_space<hbm>>) target(%arg9 : memref<200xi32, #tpu.memory_space<vmem>>) target_semaphore(%arg16 : memref<!tpu.dma_semaphore, #tpu.memory_space<semaphore_mem>>)
    %dma_start3A_17 = arith.constant 200 : i32
    %dma_start3A_18 = tpu.memref_slice %arg7[%dma_start3A_17] : memref<10000xi32, #tpu.memory_space<vmem>> -> memref<200xi32, #tpu.memory_space<vmem>>
    %dma_start3A_19 = arith.constant 0 : i32
    %dma_start3A_20 = arith.constant 0 : i32
    %dma_start3A_21 = tpu.memref_slice %arg2[%dma_start3A_19, %dma_start3A_20] : memref<10240x128xf32, #tpu.memory_space<hbm>> -> memref<10240x128xf32, #tpu.memory_space<hbm>>
    tpu.enqueue_indirect_dma source(%dma_start3A_21 : memref<10240x128xf32, #tpu.memory_space<hbm>>) target(%arg11 : memref<200x128xf32, #tpu.memory_space<vmem>>) offsets(%dma_start3A_18 : memref<200xi32, #tpu.memory_space<vmem>>) semaphore(%arg14 : memref<!tpu.dma_semaphore, #tpu.memory_space<semaphore_mem>>)
    %scan3A = arith.constant 0 : i32
    %scan3A_22 = arith.constant 25 : i32
    %scan3A_23 = arith.addi %scan3A, %scan3A_22 : i32
    %scan3A_24 = arith.constant 1 : i32
    scf.for %scan3A_31 = %scan3A to %scan3A_23 step %scan3A_24  : i32 {
      %mul3A_32 = arith.constant 1 : i32
      %mul3A_33 = arith.muli %scan3A_31, %mul3A_32 : i32
      %add3A_34 = arith.constant 0 : i32
      %add3A_35 = arith.addi %add3A_34, %mul3A_33 : i32
      %mul3A_36 = arith.constant 2 : i32
      %mul3A_37 = arith.muli %add3A_35, %mul3A_36 : i32
      %add3A_38 = arith.constant 0 : i32
      %add3A_39 = arith.addi %mul3A_37, %add3A_38 : i32
      %mul3A_40 = arith.constant 200 : i32
      %mul3A_41 = arith.muli %add3A_39, %mul3A_40 : i32
      %add3A_42 = arith.addi %mul3A_4, %mul3A_41 : i32
      %dma_wait3A = tpu.memref_slice %arg4[%add3A_42] : memref<320000xi32, #tpu.memory_space<hbm>> -> memref<200xi32, #tpu.memory_space<hbm>>
      %dma_wait3A_43 = tpu.memref_slice %arg4[%add3A_42] : memref<320000xi32, #tpu.memory_space<hbm>> -> memref<200xi32, #tpu.memory_space<hbm>>
      tpu.wait_dma2 semaphore(%arg15 : memref<!tpu.dma_semaphore, #tpu.memory_space<semaphore_mem>>) src(%dma_wait3A_43 : memref<200xi32, #tpu.memory_space<hbm>>) dst(%arg8 : memref<200xi32, #tpu.memory_space<vmem>>)
      %mul3A_44 = arith.constant 200 : i32
      %mul3A_45 = arith.muli %add3A_39, %mul3A_44 : i32
      %dma_wait3A_46 = tpu.memref_slice %arg7[%mul3A_45] : memref<10000xi32, #tpu.memory_space<vmem>> -> memref<200xi32, #tpu.memory_space<vmem>>
      %dma_wait3A_47 = arith.constant 0 : i32
      %dma_wait3A_48 = arith.constant 0 : i32
      %dma_wait3A_49 = tpu.memref_slice %arg2[%dma_wait3A_47, %dma_wait3A_48] : memref<10240x128xf32, #tpu.memory_space<hbm>> -> memref<10240x128xf32, #tpu.memory_space<hbm>>
      tpu.wait_indirect_dma semaphore(%arg13 : memref<!tpu.dma_semaphore, #tpu.memory_space<semaphore_mem>>) src(%dma_wait3A_49 : memref<10240x128xf32, #tpu.memory_space<hbm>>) dst(%arg10 : memref<200x128xf32, #tpu.memory_space<vmem>>)
      "tpu.region"() ({
        %run_scoped3A = tpu.sem_alloc : memref<!tpu.dma_semaphore, #tpu.memory_space<semaphore_mem>>
        %dma_start3A_76 = arith.constant 0 : i32
        %dma_start3A_77 = arith.constant 0 : i32
        %dma_start3A_78 = tpu.memref_slice %arg12[%dma_start3A_76, %dma_start3A_77] : memref<5120x128xf32, #tpu.memory_space<vmem_shared>> -> memref<5120x128xf32, #tpu.memory_space<vmem_shared>>
        tpu.enqueue_indirect_dma source(%arg10 : memref<200x128xf32, #tpu.memory_space<vmem>>) target(%dma_start3A_78 : memref<5120x128xf32, #tpu.memory_space<vmem_shared>>) offsets(%arg8 : memref<200xi32, #tpu.memory_space<vmem>>) semaphore(%run_scoped3A : memref<!tpu.dma_semaphore, #tpu.memory_space<semaphore_mem>>) {add = true}
        %dma_wait3A_79 = arith.constant 0 : i32
        %dma_wait3A_80 = arith.constant 0 : i32
        %dma_wait3A_81 = tpu.memref_slice %arg12[%dma_wait3A_79, %dma_wait3A_80] : memref<5120x128xf32, #tpu.memory_space<vmem_shared>> -> memref<5120x128xf32, #tpu.memory_space<vmem_shared>>
        tpu.wait_indirect_dma semaphore(%run_scoped3A : memref<!tpu.dma_semaphore, #tpu.memory_space<semaphore_mem>>) src(%arg10 : memref<200x128xf32, #tpu.memory_space<vmem>>) dst(%dma_wait3A_81 : memref<5120x128xf32, #tpu.memory_space<vmem_shared>>)
        tpu.yield
      }) : () -> ()
      %add3A_50 = arith.constant 2 : i32
      %add3A_51 = arith.addi %add3A_39, %add3A_50 : i32
      %lt3A = arith.constant 50 : i32
      %lt3A_52 = arith.cmpi slt, %add3A_51, %lt3A : i32
      %convert_element_type3A = arith.extui %lt3A_52 : i1 to i32
      %cond3A = arith.constant 0 : i32
      %cond3A_53 = arith.cmpi ne, %convert_element_type3A, %cond3A : i32
      scf.if %cond3A_53 {
        %add3A_76 = arith.constant 2 : i32
        %add3A_77 = arith.addi %add3A_39, %add3A_76 : i32
        %mul3A_78 = arith.constant 200 : i32
        %mul3A_79 = arith.muli %add3A_77, %mul3A_78 : i32
        %add3A_80 = arith.addi %mul3A_4, %mul3A_79 : i32
        %dma_start3A_81 = tpu.memref_slice %arg4[%add3A_80] : memref<320000xi32, #tpu.memory_space<hbm>> -> memref<200xi32, #tpu.memory_space<hbm>>
        %dma_start3A_82 = tpu.memref_slice %arg4[%add3A_80] : memref<320000xi32, #tpu.memory_space<hbm>> -> memref<200xi32, #tpu.memory_space<hbm>>
        tpu.enqueue_dma source(%dma_start3A_82 : memref<200xi32, #tpu.memory_space<hbm>>) target(%arg8 : memref<200xi32, #tpu.memory_space<vmem>>) target_semaphore(%arg15 : memref<!tpu.dma_semaphore, #tpu.memory_space<semaphore_mem>>)
        %mul3A_83 = arith.constant 200 : i32
        %mul3A_84 = arith.muli %add3A_77, %mul3A_83 : i32
        %dma_start3A_85 = tpu.memref_slice %arg7[%mul3A_84] : memref<10000xi32, #tpu.memory_space<vmem>> -> memref<200xi32, #tpu.memory_space<vmem>>
        %dma_start3A_86 = arith.constant 0 : i32
        %dma_start3A_87 = arith.constant 0 : i32
        %dma_start3A_88 = tpu.memref_slice %arg2[%dma_start3A_86, %dma_start3A_87] : memref<10240x128xf32, #tpu.memory_space<hbm>> -> memref<10240x128xf32, #tpu.memory_space<hbm>>
        tpu.enqueue_indirect_dma source(%dma_start3A_88 : memref<10240x128xf32, #tpu.memory_space<hbm>>) target(%arg10 : memref<200x128xf32, #tpu.memory_space<vmem>>) offsets(%dma_start3A_85 : memref<200xi32, #tpu.memory_space<vmem>>) semaphore(%arg13 : memref<!tpu.dma_semaphore, #tpu.memory_space<semaphore_mem>>)
      } else {
      }
      %mul3A_54 = arith.constant 2 : i32
      %mul3A_55 = arith.muli %add3A_35, %mul3A_54 : i32
      %add3A_56 = arith.constant 1 : i32
      %add3A_57 = arith.addi %mul3A_55, %add3A_56 : i32
      %mul3A_58 = arith.constant 200 : i32
      %mul3A_59 = arith.muli %add3A_57, %mul3A_58 : i32
      %add3A_60 = arith.addi %mul3A_4, %mul3A_59 : i32
      %dma_wait3A_61 = tpu.memref_slice %arg4[%add3A_60] : memref<320000xi32, #tpu.memory_space<hbm>> -> memref<200xi32, #tpu.memory_space<hbm>>
      %dma_wait3A_62 = tpu.memref_slice %arg4[%add3A_60] : memref<320000xi32, #tpu.memory_space<hbm>> -> memref<200xi32, #tpu.memory_space<hbm>>
      tpu.wait_dma2 semaphore(%arg16 : memref<!tpu.dma_semaphore, #tpu.memory_space<semaphore_mem>>) src(%dma_wait3A_62 : memref<200xi32, #tpu.memory_space<hbm>>) dst(%arg9 : memref<200xi32, #tpu.memory_space<vmem>>)
      %mul3A_63 = arith.constant 200 : i32
      %mul3A_64 = arith.muli %add3A_57, %mul3A_63 : i32
      %dma_wait3A_65 = tpu.memref_slice %arg7[%mul3A_64] : memref<10000xi32, #tpu.memory_space<vmem>> -> memref<200xi32, #tpu.memory_space<vmem>>
      %dma_wait3A_66 = arith.constant 0 : i32
      %dma_wait3A_67 = arith.constant 0 : i32
      %dma_wait3A_68 = tpu.memref_slice %arg2[%dma_wait3A_66, %dma_wait3A_67] : memref<10240x128xf32, #tpu.memory_space<hbm>> -> memref<10240x128xf32, #tpu.memory_space<hbm>>
      tpu.wait_indirect_dma semaphore(%arg14 : memref<!tpu.dma_semaphore, #tpu.memory_space<semaphore_mem>>) src(%dma_wait3A_68 : memref<10240x128xf32, #tpu.memory_space<hbm>>) dst(%arg11 : memref<200x128xf32, #tpu.memory_space<vmem>>)
      "tpu.region"() ({
        %run_scoped3A = tpu.sem_alloc : memref<!tpu.dma_semaphore, #tpu.memory_space<semaphore_mem>>
        %dma_start3A_76 = arith.constant 0 : i32
        %dma_start3A_77 = arith.constant 0 : i32
        %dma_start3A_78 = tpu.memref_slice %arg12[%dma_start3A_76, %dma_start3A_77] : memref<5120x128xf32, #tpu.memory_space<vmem_shared>> -> memref<5120x128xf32, #tpu.memory_space<vmem_shared>>
        tpu.enqueue_indirect_dma source(%arg11 : memref<200x128xf32, #tpu.memory_space<vmem>>) target(%dma_start3A_78 : memref<5120x128xf32, #tpu.memory_space<vmem_shared>>) offsets(%arg9 : memref<200xi32, #tpu.memory_space<vmem>>) semaphore(%run_scoped3A : memref<!tpu.dma_semaphore, #tpu.memory_space<semaphore_mem>>) {add = true}
        %dma_wait3A_79 = arith.constant 0 : i32
        %dma_wait3A_80 = arith.constant 0 : i32
        %dma_wait3A_81 = tpu.memref_slice %arg12[%dma_wait3A_79, %dma_wait3A_80] : memref<5120x128xf32, #tpu.memory_space<vmem_shared>> -> memref<5120x128xf32, #tpu.memory_space<vmem_shared>>
        tpu.wait_indirect_dma semaphore(%run_scoped3A : memref<!tpu.dma_semaphore, #tpu.memory_space<semaphore_mem>>) src(%arg11 : memref<200x128xf32, #tpu.memory_space<vmem>>) dst(%dma_wait3A_81 : memref<5120x128xf32, #tpu.memory_space<vmem_shared>>)
        tpu.yield
      }) : () -> ()
      %add3A_69 = arith.constant 2 : i32
      %add3A_70 = arith.addi %add3A_57, %add3A_69 : i32
      %lt3A_71 = arith.constant 50 : i32
      %lt3A_72 = arith.cmpi slt, %add3A_70, %lt3A_71 : i32
      %convert_element_type3A_73 = arith.extui %lt3A_72 : i1 to i32
      %cond3A_74 = arith.constant 0 : i32
      %cond3A_75 = arith.cmpi ne, %convert_element_type3A_73, %cond3A_74 : i32
      scf.if %cond3A_75 {
        %add3A_76 = arith.constant 2 : i32
        %add3A_77 = arith.addi %add3A_57, %add3A_76 : i32
        %mul3A_78 = arith.constant 200 : i32
        %mul3A_79 = arith.muli %add3A_77, %mul3A_78 : i32
        %add3A_80 = arith.addi %mul3A_4, %mul3A_79 : i32
        %dma_start3A_81 = tpu.memref_slice %arg4[%add3A_80] : memref<320000xi32, #tpu.memory_space<hbm>> -> memref<200xi32, #tpu.memory_space<hbm>>
        %dma_start3A_82 = tpu.memref_slice %arg4[%add3A_80] : memref<320000xi32, #tpu.memory_space<hbm>> -> memref<200xi32, #tpu.memory_space<hbm>>
        tpu.enqueue_dma source(%dma_start3A_82 : memref<200xi32, #tpu.memory_space<hbm>>) target(%arg9 : memref<200xi32, #tpu.memory_space<vmem>>) target_semaphore(%arg16 : memref<!tpu.dma_semaphore, #tpu.memory_space<semaphore_mem>>)
        %mul3A_83 = arith.constant 200 : i32
        %mul3A_84 = arith.muli %add3A_77, %mul3A_83 : i32
        %dma_start3A_85 = tpu.memref_slice %arg7[%mul3A_84] : memref<10000xi32, #tpu.memory_space<vmem>> -> memref<200xi32, #tpu.memory_space<vmem>>
        %dma_start3A_86 = arith.constant 0 : i32
        %dma_start3A_87 = arith.constant 0 : i32
        %dma_start3A_88 = tpu.memref_slice %arg2[%dma_start3A_86, %dma_start3A_87] : memref<10240x128xf32, #tpu.memory_space<hbm>> -> memref<10240x128xf32, #tpu.memory_space<hbm>>
        tpu.enqueue_indirect_dma source(%dma_start3A_88 : memref<10240x128xf32, #tpu.memory_space<hbm>>) target(%arg11 : memref<200x128xf32, #tpu.memory_space<vmem>>) offsets(%dma_start3A_85 : memref<200xi32, #tpu.memory_space<vmem>>) semaphore(%arg14 : memref<!tpu.dma_semaphore, #tpu.memory_space<semaphore_mem>>)
      } else {
      }
    }
    %scan3A_25 = arith.constant 25 : i32
    %barrier3A_26 = arith.constant 0 : index
    tpu.barrier barrier_id(%barrier3A_26)
    %mul3A_27 = arith.constant 320 : i32
    %mul3A_28 = arith.muli %arg1, %mul3A_27 : i32
    %mul3A_29 = arith.constant 320 : i32
    %mul3A_30 = arith.muli %arg1, %mul3A_29 : i32
    "tpu.region"() ({
      %run_scoped3A = tpu.sem_alloc : memref<!tpu.dma_semaphore, #tpu.memory_space<semaphore_mem>>
      %dma_start3A_31 = arith.constant 0 : i32
      %dma_start3A_32 = tpu.memref_slice %arg6[%arg0, %mul3A_30, %dma_start3A_31] : memref<2x5120x128xf32, #tpu.memory_space<hbm>> -> memref<1x320x128xf32, #tpu.memory_space<hbm>>
      %dma_start3A_33 = tpu.memref_squeeze %dma_start3A_32 : memref<1x320x128xf32, #tpu.memory_space<hbm>> -> memref<320x128xf32, #tpu.memory_space<hbm>>
      %dma_start3A_34 = arith.constant 0 : i32
      %dma_start3A_35 = tpu.memref_slice %arg12[%mul3A_28, %dma_start3A_34] : memref<5120x128xf32, #tpu.memory_space<vmem_shared>> -> memref<320x128xf32, #tpu.memory_space<vmem_shared>>
      tpu.enqueue_dma source(%dma_start3A_35 : memref<320x128xf32, #tpu.memory_space<vmem_shared>>) target(%dma_start3A_33 : memref<320x128xf32, #tpu.memory_space<hbm>>) target_semaphore(%run_scoped3A : memref<!tpu.dma_semaphore, #tpu.memory_space<semaphore_mem>>)
      %dma_wait3A = arith.constant 0 : i32
      %dma_wait3A_36 = tpu.memref_slice %arg6[%arg0, %mul3A_30, %dma_wait3A] : memref<2x5120x128xf32, #tpu.memory_space<hbm>> -> memref<1x320x128xf32, #tpu.memory_space<hbm>>
      %dma_wait3A_37 = tpu.memref_squeeze %dma_wait3A_36 : memref<1x320x128xf32, #tpu.memory_space<hbm>> -> memref<320x128xf32, #tpu.memory_space<hbm>>
      %dma_wait3A_38 = arith.constant 0 : i32
      %dma_wait3A_39 = tpu.memref_slice %arg12[%mul3A_28, %dma_wait3A_38] : memref<5120x128xf32, #tpu.memory_space<vmem_shared>> -> memref<320x128xf32, #tpu.memory_space<vmem_shared>>
      tpu.wait_dma2 semaphore(%run_scoped3A : memref<!tpu.dma_semaphore, #tpu.memory_space<semaphore_mem>>) src(%dma_wait3A_39 : memref<320x128xf32, #tpu.memory_space<vmem_shared>>) dst(%dma_wait3A_37 : memref<320x128xf32, #tpu.memory_space<hbm>>)
      tpu.yield
    }) : () -> ()
    return
  }
}

#map = affine_map<(d0, d1) -> (0)>
#map1 = affine_map<(d0, d1) -> (0, 0)>
module attributes {stable_mosaic.version = 14 : i64} {
  func.func @_deg_body(%arg0: i32, %arg1: i32, %arg2: memref<320000xi32, #tpu.memory_space<hbm>>, %arg3: memref<32x5120xf32, #tpu.memory_space<hbm>>, %arg4: memref<5120xf32, #tpu.memory_space<vmem>>, %arg5: memref<400xi32, #tpu.memory_space<vmem>>) attributes {dimension_semantics = [#tpu.dimension_semantics<core_parallel>, #tpu.dimension_semantics<subcore_parallel>], iteration_bounds = array<i64: 2, 16>, scalar_prefetch = 0 : i64, scratch_operands = 2 : i64, tpu.core_type = #tpu.core_type<sc_vector_subcore>, window_params = [{transform_indices = #map}, {transform_indices = #map1}]} {
    %mul3A = arith.constant 16 : i32
    %mul3A_0 = arith.muli %arg0, %mul3A : i32
    %add3A = arith.addi %mul3A_0, %arg1 : i32
    %scan3A = arith.constant 0 : i32
    %scan3A_1 = arith.constant 320 : i32
    %scan3A_2 = arith.addi %scan3A, %scan3A_1 : i32
    %scan3A_3 = arith.constant 1 : i32
    scf.for %scan3A_13 = %scan3A to %scan3A_2 step %scan3A_3  : i32 {
      %mul3A_14 = arith.constant 1 : i32
      %mul3A_15 = arith.muli %scan3A_13, %mul3A_14 : i32
      %add3A_16 = arith.constant 0 : i32
      %add3A_17 = arith.addi %add3A_16, %mul3A_15 : i32
      %broadcast_in_dim3A_18 = arith.constant 0.000000e+00 : f32
      %broadcast_in_dim3A_19 = vector.broadcast %broadcast_in_dim3A_18 : f32 to vector<16xf32>
      %mul3A_20 = arith.constant 16 : i32
      %mul3A_21 = arith.muli %add3A_17, %mul3A_20 : i32
      %swap3A = arith.index_cast %mul3A_21 : i32 to index
      %swap3A_22 = tpu.vector_load %arg4[%swap3A] {strides = array<i32>} : memref<5120xf32, #tpu.memory_space<vmem>>, vector<16xf32>,
      tpu.vector_store %arg4[%swap3A], %broadcast_in_dim3A_19 {strides = array<i32>} : memref<5120xf32, #tpu.memory_space<vmem>>, vector<16xf32>,
    }
    %scan3A_4 = arith.constant 320 : i32
    %mul3A_5 = arith.constant 10000 : i32
    %mul3A_6 = arith.muli %add3A, %mul3A_5 : i32
    %broadcast_in_dim3A = arith.constant 1.000000e+00 : f32
    %broadcast_in_dim3A_7 = vector.broadcast %broadcast_in_dim3A : f32 to vector<16xf32>
    %scan3A_8 = arith.constant 0 : i32
    %scan3A_9 = arith.constant 25 : i32
    %scan3A_10 = arith.addi %scan3A_8, %scan3A_9 : i32
    %scan3A_11 = arith.constant 1 : i32
    scf.for %scan3A_13 = %scan3A_8 to %scan3A_10 step %scan3A_11  : i32 {
      %mul3A_14 = arith.constant 1 : i32
      %mul3A_15 = arith.muli %scan3A_13, %mul3A_14 : i32
      %add3A_16 = arith.constant 0 : i32
      %add3A_17 = arith.addi %add3A_16, %mul3A_15 : i32
      %mul3A_18 = arith.constant 400 : i32
      %mul3A_19 = arith.muli %add3A_17, %mul3A_18 : i32
      %add3A_20 = arith.addi %mul3A_6, %mul3A_19 : i32
      "tpu.region"() ({
        %run_scoped3A = tpu.sem_alloc : memref<!tpu.dma_semaphore, #tpu.memory_space<semaphore_mem>>
        %dma_start3A = tpu.memref_slice %arg2[%add3A_20] : memref<320000xi32, #tpu.memory_space<hbm>> -> memref<400xi32, #tpu.memory_space<hbm>>
        %dma_start3A_26 = tpu.memref_slice %arg2[%add3A_20] : memref<320000xi32, #tpu.memory_space<hbm>> -> memref<400xi32, #tpu.memory_space<hbm>>
        tpu.enqueue_dma source(%dma_start3A_26 : memref<400xi32, #tpu.memory_space<hbm>>) target(%arg5 : memref<400xi32, #tpu.memory_space<vmem>>) target_semaphore(%run_scoped3A : memref<!tpu.dma_semaphore, #tpu.memory_space<semaphore_mem>>)
        %dma_wait3A = tpu.memref_slice %arg2[%add3A_20] : memref<320000xi32, #tpu.memory_space<hbm>> -> memref<400xi32, #tpu.memory_space<hbm>>
        %dma_wait3A_27 = tpu.memref_slice %arg2[%add3A_20] : memref<320000xi32, #tpu.memory_space<hbm>> -> memref<400xi32, #tpu.memory_space<hbm>>
        tpu.wait_dma2 semaphore(%run_scoped3A : memref<!tpu.dma_semaphore, #tpu.memory_space<semaphore_mem>>) src(%dma_wait3A_27 : memref<400xi32, #tpu.memory_space<hbm>>) dst(%arg5 : memref<400xi32, #tpu.memory_space<vmem>>)
        tpu.yield
      }) : () -> ()
      %scan3A_21 = arith.constant 0 : i32
      %scan3A_22 = arith.constant 25 : i32
      %scan3A_23 = arith.addi %scan3A_21, %scan3A_22 : i32
      %scan3A_24 = arith.constant 1 : i32
      scf.for %scan3A_26 = %scan3A_21 to %scan3A_23 step %scan3A_24  : i32 {
        %mul3A_27 = arith.constant 1 : i32
        %mul3A_28 = arith.muli %scan3A_26, %mul3A_27 : i32
        %add3A_29 = arith.constant 0 : i32
        %add3A_30 = arith.addi %add3A_29, %mul3A_28 : i32
        %mul3A_31 = arith.constant 16 : i32
        %mul3A_32 = arith.muli %add3A_30, %mul3A_31 : i32
        %get3A = arith.index_cast %mul3A_32 : i32 to index
        %get3A_33 = tpu.vector_load %arg5[%get3A] {strides = array<i32>} : memref<400xi32, #tpu.memory_space<vmem>>, vector<16xi32>,
        tpu.vector_store_idx %arg4[%get3A_33], %broadcast_in_dim3A_7 {add = true} : memref<5120xf32, #tpu.memory_space<vmem>>[vector<16xi32>], vector<16xf32>,
      }
      %scan3A_25 = arith.constant 25 : i32
    }
    %scan3A_12 = arith.constant 25 : i32
    "tpu.region"() ({
      %run_scoped3A = tpu.sem_alloc : memref<!tpu.dma_semaphore, #tpu.memory_space<semaphore_mem>>
      %dma_start3A = arith.constant 0 : i32
      %dma_start3A_13 = tpu.memref_slice %arg3[%add3A, %dma_start3A] : memref<32x5120xf32, #tpu.memory_space<hbm>> -> memref<1x5120xf32, #tpu.memory_space<hbm>>
      %dma_start3A_14 = tpu.memref_squeeze %dma_start3A_13 : memref<1x5120xf32, #tpu.memory_space<hbm>> -> memref<5120xf32, #tpu.memory_space<hbm>>
      %dma_start3A_15 = arith.constant 0 : i32
      %dma_start3A_16 = tpu.memref_slice %arg3[%add3A, %dma_start3A_15] : memref<32x5120xf32, #tpu.memory_space<hbm>> -> memref<1x5120xf32, #tpu.memory_space<hbm>>
      %dma_start3A_17 = tpu.memref_squeeze %dma_start3A_16 : memref<1x5120xf32, #tpu.memory_space<hbm>> -> memref<5120xf32, #tpu.memory_space<hbm>>
      tpu.enqueue_dma source(%arg4 : memref<5120xf32, #tpu.memory_space<vmem>>) target(%dma_start3A_17 : memref<5120xf32, #tpu.memory_space<hbm>>) target_semaphore(%run_scoped3A : memref<!tpu.dma_semaphore, #tpu.memory_space<semaphore_mem>>)
      %dma_wait3A = arith.constant 0 : i32
      %dma_wait3A_18 = tpu.memref_slice %arg3[%add3A, %dma_wait3A] : memref<32x5120xf32, #tpu.memory_space<hbm>> -> memref<1x5120xf32, #tpu.memory_space<hbm>>
      %dma_wait3A_19 = tpu.memref_squeeze %dma_wait3A_18 : memref<1x5120xf32, #tpu.memory_space<hbm>> -> memref<5120xf32, #tpu.memory_space<hbm>>
      %dma_wait3A_20 = arith.constant 0 : i32
      %dma_wait3A_21 = tpu.memref_slice %arg3[%add3A, %dma_wait3A_20] : memref<32x5120xf32, #tpu.memory_space<hbm>> -> memref<1x5120xf32, #tpu.memory_space<hbm>>
      %dma_wait3A_22 = tpu.memref_squeeze %dma_wait3A_21 : memref<1x5120xf32, #tpu.memory_space<hbm>> -> memref<5120xf32, #tpu.memory_space<hbm>>
      tpu.wait_dma2 semaphore(%run_scoped3A : memref<!tpu.dma_semaphore, #tpu.memory_space<semaphore_mem>>) src(%arg4 : memref<5120xf32, #tpu.memory_space<vmem>>) dst(%dma_wait3A_22 : memref<5120xf32, #tpu.memory_space<hbm>>)
      tpu.yield
    }) : () -> ()
    return
  }
}

#map = affine_map<(d0, d1) -> (0)>
module attributes {stable_mosaic.version = 14 : i64} {
  func.func @_readout_body(%arg0: i32, %arg1: i32, %arg2: memref<40960xf32, #tpu.memory_space<hbm>>, %arg3: memref<320000xi32, #tpu.memory_space<hbm>>, %arg4: memref<320000xi32, #tpu.memory_space<hbm>>, %arg5: memref<640000xf32, #tpu.memory_space<hbm>>, %arg6: memref<40960xf32, #tpu.memory_space<vmem>>, %arg7: memref<512xi32, #tpu.memory_space<vmem>>, %arg8: memref<512xi32, #tpu.memory_space<vmem>>, %arg9: memref<1024xf32, #tpu.memory_space<vmem>>) attributes {dimension_semantics = [#tpu.dimension_semantics<core_parallel>, #tpu.dimension_semantics<subcore_parallel>], iteration_bounds = array<i64: 2, 16>, scalar_prefetch = 0 : i64, scratch_operands = 4 : i64, tpu.core_type = #tpu.core_type<sc_vector_subcore>, window_params = [{transform_indices = #map}, {transform_indices = #map}, {transform_indices = #map}, {transform_indices = #map}]} {
    %mul3A = arith.constant 16 : i32
    %mul3A_0 = arith.muli %arg0, %mul3A : i32
    %add3A = arith.addi %mul3A_0, %arg1 : i32
    "tpu.region"() ({
      %run_scoped3A = tpu.sem_alloc : memref<!tpu.dma_semaphore, #tpu.memory_space<semaphore_mem>>
      tpu.enqueue_dma source(%arg2 : memref<40960xf32, #tpu.memory_space<hbm>>) target(%arg6 : memref<40960xf32, #tpu.memory_space<vmem>>) target_semaphore(%run_scoped3A : memref<!tpu.dma_semaphore, #tpu.memory_space<semaphore_mem>>)
      tpu.wait_dma2 semaphore(%run_scoped3A : memref<!tpu.dma_semaphore, #tpu.memory_space<semaphore_mem>>) src(%arg2 : memref<40960xf32, #tpu.memory_space<hbm>>) dst(%arg6 : memref<40960xf32, #tpu.memory_space<vmem>>)
      tpu.yield
    }) : () -> ()
    %scan3A = arith.constant 0 : i32
    %scan3A_1 = arith.constant 20 : i32
    %scan3A_2 = arith.addi %scan3A, %scan3A_1 : i32
    %scan3A_3 = arith.constant 1 : i32
    scf.for %scan3A_5 = %scan3A to %scan3A_2 step %scan3A_3  : i32 {
      %mul3A_6 = arith.constant 1 : i32
      %mul3A_7 = arith.muli %scan3A_5, %mul3A_6 : i32
      %add3A_8 = arith.constant 0 : i32
      %add3A_9 = arith.addi %add3A_8, %mul3A_7 : i32
      %mul3A_10 = arith.constant 32 : i32
      %mul3A_11 = arith.muli %add3A_9, %mul3A_10 : i32
      %add3A_12 = arith.addi %mul3A_11, %add3A : i32
      %lt3A = arith.constant 625 : i32
      %lt3A_13 = arith.cmpi slt, %add3A_12, %lt3A : i32
      %convert_element_type3A = arith.extui %lt3A_13 : i1 to i32
      %cond3A = arith.constant 0 : i32
      %cond3A_14 = arith.cmpi ne, %convert_element_type3A, %cond3A : i32
      scf.if %cond3A_14 {
        %mul3A_15 = arith.constant 512 : i32
        %mul3A_16 = arith.muli %add3A_12, %mul3A_15 : i32
        "tpu.region"() ({
          %run_scoped3A = tpu.sem_alloc : memref<!tpu.dma_semaphore, #tpu.memory_space<semaphore_mem>>
          %dma_start3A = tpu.memref_slice %arg3[%mul3A_16] : memref<320000xi32, #tpu.memory_space<hbm>> -> memref<512xi32, #tpu.memory_space<hbm>>
          %dma_start3A_24 = tpu.memref_slice %arg3[%mul3A_16] : memref<320000xi32, #tpu.memory_space<hbm>> -> memref<512xi32, #tpu.memory_space<hbm>>
          tpu.enqueue_dma source(%dma_start3A_24 : memref<512xi32, #tpu.memory_space<hbm>>) target(%arg7 : memref<512xi32, #tpu.memory_space<vmem>>) target_semaphore(%run_scoped3A : memref<!tpu.dma_semaphore, #tpu.memory_space<semaphore_mem>>)
          %dma_wait3A = tpu.memref_slice %arg3[%mul3A_16] : memref<320000xi32, #tpu.memory_space<hbm>> -> memref<512xi32, #tpu.memory_space<hbm>>
          %dma_wait3A_25 = tpu.memref_slice %arg3[%mul3A_16] : memref<320000xi32, #tpu.memory_space<hbm>> -> memref<512xi32, #tpu.memory_space<hbm>>
          tpu.wait_dma2 semaphore(%run_scoped3A : memref<!tpu.dma_semaphore, #tpu.memory_space<semaphore_mem>>) src(%dma_wait3A_25 : memref<512xi32, #tpu.memory_space<hbm>>) dst(%arg7 : memref<512xi32, #tpu.memory_space<vmem>>)
          tpu.yield
        }) : () -> ()
        "tpu.region"() ({
          %run_scoped3A = tpu.sem_alloc : memref<!tpu.dma_semaphore, #tpu.memory_space<semaphore_mem>>
          %dma_start3A = tpu.memref_slice %arg4[%mul3A_16] : memref<320000xi32, #tpu.memory_space<hbm>> -> memref<512xi32, #tpu.memory_space<hbm>>
          %dma_start3A_24 = tpu.memref_slice %arg4[%mul3A_16] : memref<320000xi32, #tpu.memory_space<hbm>> -> memref<512xi32, #tpu.memory_space<hbm>>
          tpu.enqueue_dma source(%dma_start3A_24 : memref<512xi32, #tpu.memory_space<hbm>>) target(%arg8 : memref<512xi32, #tpu.memory_space<vmem>>) target_semaphore(%run_scoped3A : memref<!tpu.dma_semaphore, #tpu.memory_space<semaphore_mem>>)
          %dma_wait3A = tpu.memref_slice %arg4[%mul3A_16] : memref<320000xi32, #tpu.memory_space<hbm>> -> memref<512xi32, #tpu.memory_space<hbm>>
          %dma_wait3A_25 = tpu.memref_slice %arg4[%mul3A_16] : memref<320000xi32, #tpu.memory_space<hbm>> -> memref<512xi32, #tpu.memory_space<hbm>>
          tpu.wait_dma2 semaphore(%run_scoped3A : memref<!tpu.dma_semaphore, #tpu.memory_space<semaphore_mem>>) src(%dma_wait3A_25 : memref<512xi32, #tpu.memory_space<hbm>>) dst(%arg8 : memref<512xi32, #tpu.memory_space<vmem>>)
          tpu.yield
        }) : () -> ()
        %scan3A_17 = arith.constant 0 : i32
        %scan3A_18 = arith.constant 4 : i32
        %scan3A_19 = arith.addi %scan3A_17, %scan3A_18 : i32
        %scan3A_20 = arith.constant 1 : i32
        scf.for %scan3A_24 = %scan3A_17 to %scan3A_19 step %scan3A_20  : i32 {
          %mul3A_25 = arith.constant 1 : i32
          %mul3A_26 = arith.muli %scan3A_24, %mul3A_25 : i32
          %add3A_27 = arith.constant 0 : i32
          %add3A_28 = arith.addi %add3A_27, %mul3A_26 : i32
          %scan3A_29 = arith.constant 0 : i32
          %scan3A_30 = arith.constant 8 : i32
          %scan3A_31 = arith.addi %scan3A_29, %scan3A_30 : i32
          %scan3A_32 = arith.constant 1 : i32
          scf.for %scan3A_34 = %scan3A_29 to %scan3A_31 step %scan3A_32  : i32 {
            %mul3A_35 = arith.constant 1 : i32
            %mul3A_36 = arith.muli %scan3A_34, %mul3A_35 : i32
            %add3A_37 = arith.constant 0 : i32
            %add3A_38 = arith.addi %add3A_37, %mul3A_36 : i32
            %mul3A_39 = arith.constant 128 : i32
            %mul3A_40 = arith.muli %add3A_28, %mul3A_39 : i32
            %mul3A_41 = arith.constant 16 : i32
            %mul3A_42 = arith.muli %add3A_38, %mul3A_41 : i32
            %add3A_43 = arith.addi %mul3A_40, %mul3A_42 : i32
            %get3A = arith.index_cast %add3A_43 : i32 to index
            %get3A_44 = tpu.vector_load %arg7[%get3A] {strides = array<i32>} : memref<512xi32, #tpu.memory_space<vmem>>, vector<16xi32>,
            %get3A_45 = arith.index_cast %add3A_43 : i32 to index
            %get3A_46 = tpu.vector_load %arg8[%get3A_45] {strides = array<i32>} : memref<512xi32, #tpu.memory_space<vmem>>, vector<16xi32>,
            %add3A_47 = arith.constant 5120 : i32
            %add3A_48 = vector.broadcast %add3A_47 : i32 to vector<16xi32>
            %add3A_49 = arith.addi %get3A_46, %add3A_48 : vector<16xi32>
            %gather3A = tpu.vector_load_idx %arg6[%get3A_44] : memref<40960xf32, #tpu.memory_space<vmem>>[vector<16xi32>], vector<16xf32>,
            %add3A_50 = arith.constant 20480 : i32
            %add3A_51 = vector.broadcast %add3A_50 : i32 to vector<16xi32>
            %add3A_52 = arith.addi %add3A_49, %add3A_51 : vector<16xi32>
            %gather3A_53 = tpu.vector_load_idx %arg6[%add3A_52] : memref<40960xf32, #tpu.memory_space<vmem>>[vector<16xi32>], vector<16xf32>,
            %add3A_54 = arith.addf %gather3A, %gather3A_53 : vector<16xf32>
            %add3A_55 = arith.constant 10240 : i32
            %add3A_56 = vector.broadcast %add3A_55 : i32 to vector<16xi32>
            %add3A_57 = arith.addi %get3A_44, %add3A_56 : vector<16xi32>
            %gather3A_58 = tpu.vector_load_idx %arg6[%add3A_57] : memref<40960xf32, #tpu.memory_space<vmem>>[vector<16xi32>], vector<16xf32>,
            %add3A_59 = arith.constant 30720 : i32
            %add3A_60 = vector.broadcast %add3A_59 : i32 to vector<16xi32>
            %add3A_61 = arith.addi %add3A_49, %add3A_60 : vector<16xi32>
            %gather3A_62 = tpu.vector_load_idx %arg6[%add3A_61] : memref<40960xf32, #tpu.memory_space<vmem>>[vector<16xi32>], vector<16xf32>,
            %add3A_63 = arith.addf %gather3A_58, %gather3A_62 : vector<16xf32>
            %mul3A_64 = arith.constant 2 : i32
            %mul3A_65 = arith.muli %mul3A_64, %add3A_28 : i32
            %mul3A_66 = arith.constant 128 : i32
            %mul3A_67 = arith.muli %mul3A_65, %mul3A_66 : i32
            %mul3A_68 = arith.constant 16 : i32
            %mul3A_69 = arith.muli %add3A_38, %mul3A_68 : i32
            %add3A_70 = arith.addi %mul3A_67, %mul3A_69 : i32
            %swap3A = arith.index_cast %add3A_70 : i32 to index
            %swap3A_71 = tpu.vector_load %arg9[%swap3A] {strides = array<i32>} : memref<1024xf32, #tpu.memory_space<vmem>>, vector<16xf32>,
            tpu.vector_store %arg9[%swap3A], %add3A_54 {strides = array<i32>} : memref<1024xf32, #tpu.memory_space<vmem>>, vector<16xf32>,
            %mul3A_72 = arith.constant 2 : i32
            %mul3A_73 = arith.muli %mul3A_72, %add3A_28 : i32
            %mul3A_74 = arith.constant 128 : i32
            %mul3A_75 = arith.muli %mul3A_73, %mul3A_74 : i32
            %add3A_76 = arith.constant 128 : i32
            %add3A_77 = arith.addi %mul3A_75, %add3A_76 : i32
            %mul3A_78 = arith.constant 16 : i32
            %mul3A_79 = arith.muli %add3A_38, %mul3A_78 : i32
            %add3A_80 = arith.addi %add3A_77, %mul3A_79 : i32
            %swap3A_81 = arith.index_cast %add3A_80 : i32 to index
            %swap3A_82 = tpu.vector_load %arg9[%swap3A_81] {strides = array<i32>} : memref<1024xf32, #tpu.memory_space<vmem>>, vector<16xf32>,
            tpu.vector_store %arg9[%swap3A_81], %add3A_63 {strides = array<i32>} : memref<1024xf32, #tpu.memory_space<vmem>>, vector<16xf32>,
          }
          %scan3A_33 = arith.constant 8 : i32
        }
        %scan3A_21 = arith.constant 4 : i32
        %mul3A_22 = arith.constant 2 : i32
        %mul3A_23 = arith.muli %mul3A_22, %mul3A_16 : i32
        "tpu.region"() ({
          %run_scoped3A = tpu.sem_alloc : memref<!tpu.dma_semaphore, #tpu.memory_space<semaphore_mem>>
          %dma_start3A = tpu.memref_slice %arg5[%mul3A_23] : memref<640000xf32, #tpu.memory_space<hbm>> -> memref<1024xf32, #tpu.memory_space<hbm>>
          %dma_start3A_24 = tpu.memref_slice %arg5[%mul3A_23] : memref<640000xf32, #tpu.memory_space<hbm>> -> memref<1024xf32, #tpu.memory_space<hbm>>
          tpu.enqueue_dma source(%arg9 : memref<1024xf32, #tpu.memory_space<vmem>>) target(%dma_start3A_24 : memref<1024xf32, #tpu.memory_space<hbm>>) target_semaphore(%run_scoped3A : memref<!tpu.dma_semaphore, #tpu.memory_space<semaphore_mem>>)
          %dma_wait3A = tpu.memref_slice %arg5[%mul3A_23] : memref<640000xf32, #tpu.memory_space<hbm>> -> memref<1024xf32, #tpu.memory_space<hbm>>
          %dma_wait3A_25 = tpu.memref_slice %arg5[%mul3A_23] : memref<640000xf32, #tpu.memory_space<hbm>> -> memref<1024xf32, #tpu.memory_space<hbm>>
          tpu.wait_dma2 semaphore(%run_scoped3A : memref<!tpu.dma_semaphore, #tpu.memory_space<semaphore_mem>>) src(%arg9 : memref<1024xf32, #tpu.memory_space<vmem>>) dst(%dma_wait3A_25 : memref<1024xf32, #tpu.memory_space<hbm>>)
          tpu.yield
        }) : () -> ()
      } else {
      }
    }
    %scan3A_4 = arith.constant 20 : i32
    return
  }
}

#map = affine_map<(d0, d1) -> (0, 0)>
#map1 = affine_map<(d0, d1) -> (0)>
#map2 = affine_map<(d0, d1) -> (0, 0, 0)>
module attributes {stable_mosaic.version = 14 : i64} {
  func.func @_agg_body(%arg0: i32, %arg1: i32, %arg2: memref<10240x128xf32, #tpu.memory_space<hbm>>, %arg3: memref<320000xi32, #tpu.memory_space<hbm>>, %arg4: memref<320000xi32, #tpu.memory_space<hbm>>, %arg5: memref<320x128xf32, #tpu.memory_space<hbm>>, %arg6: memref<2x5120x128xf32, #tpu.memory_space<hbm>>, %arg7: memref<10000xi32, #tpu.memory_space<vmem>>, %arg8: memref<200xi32, #tpu.memory_space<vmem>>, %arg9: memref<200xi32, #tpu.memory_space<vmem>>, %arg10: memref<200x128xf32, #tpu.memory_space<vmem>>, %arg11: memref<200x128xf32, #tpu.memory_space<vmem>>, %arg12: memref<5120x128xf32, #tpu.memory_space<vmem_shared>>, %arg13: memref<!tpu.dma_semaphore, #tpu.memory_space<semaphore_mem>>, %arg14: memref<!tpu.dma_semaphore, #tpu.memory_space<semaphore_mem>>, %arg15: memref<!tpu.dma_semaphore, #tpu.memory_space<semaphore_mem>>, %arg16: memref<!tpu.dma_semaphore, #tpu.memory_space<semaphore_mem>>) attributes {dimension_semantics = [#tpu.dimension_semantics<core_parallel>, #tpu.dimension_semantics<subcore_parallel>], iteration_bounds = array<i64: 2, 16>, scalar_prefetch = 0 : i64, scratch_operands = 10 : i64, tpu.core_type = #tpu.core_type<sc_vector_subcore>, window_params = [{transform_indices = #map}, {transform_indices = #map1}, {transform_indices = #map1}, {transform_indices = #map}, {transform_indices = #map2}]} {
    %mul3A = arith.constant 16 : i32
    %mul3A_0 = arith.muli %arg0, %mul3A : i32
    %add3A = arith.addi %mul3A_0, %arg1 : i32
    %mul3A_1 = arith.constant 320 : i32
    %mul3A_2 = arith.muli %arg1, %mul3A_1 : i32
    "tpu.region"() ({
      %run_scoped3A = tpu.sem_alloc : memref<!tpu.dma_semaphore, #tpu.memory_space<semaphore_mem>>
      %dma_start3A_31 = arith.constant 0 : i32
      %dma_start3A_32 = tpu.memref_slice %arg12[%mul3A_2, %dma_start3A_31] : memref<5120x128xf32, #tpu.memory_space<vmem_shared>> -> memref<320x128xf32, #tpu.memory_space<vmem_shared>>
      tpu.enqueue_dma source(%arg5 : memref<320x128xf32, #tpu.memory_space<hbm>>) target(%dma_start3A_32 : memref<320x128xf32, #tpu.memory_space<vmem_shared>>) target_semaphore(%run_scoped3A : memref<!tpu.dma_semaphore, #tpu.memory_space<semaphore_mem>>)
      %dma_wait3A = arith.constant 0 : i32
      %dma_wait3A_33 = tpu.memref_slice %arg12[%mul3A_2, %dma_wait3A] : memref<5120x128xf32, #tpu.memory_space<vmem_shared>> -> memref<320x128xf32, #tpu.memory_space<vmem_shared>>
      tpu.wait_dma2 semaphore(%run_scoped3A : memref<!tpu.dma_semaphore, #tpu.memory_space<semaphore_mem>>) src(%arg5 : memref<320x128xf32, #tpu.memory_space<hbm>>) dst(%dma_wait3A_33 : memref<320x128xf32, #tpu.memory_space<vmem_shared>>)
      tpu.yield
    }) : () -> ()
    %mul3A_3 = arith.constant 10000 : i32
    %mul3A_4 = arith.muli %add3A, %mul3A_3 : i32
    "tpu.region"() ({
      %run_scoped3A = tpu.sem_alloc : memref<!tpu.dma_semaphore, #tpu.memory_space<semaphore_mem>>
      %dma_start3A_31 = tpu.memref_slice %arg3[%mul3A_4] : memref<320000xi32, #tpu.memory_space<hbm>> -> memref<10000xi32, #tpu.memory_space<hbm>>
      %dma_start3A_32 = tpu.memref_slice %arg3[%mul3A_4] : memref<320000xi32, #tpu.memory_space<hbm>> -> memref<10000xi32, #tpu.memory_space<hbm>>
      tpu.enqueue_dma source(%dma_start3A_32 : memref<10000xi32, #tpu.memory_space<hbm>>) target(%arg7 : memref<10000xi32, #tpu.memory_space<vmem>>) target_semaphore(%run_scoped3A : memref<!tpu.dma_semaphore, #tpu.memory_space<semaphore_mem>>)
      %dma_wait3A = tpu.memref_slice %arg3[%mul3A_4] : memref<320000xi32, #tpu.memory_space<hbm>> -> memref<10000xi32, #tpu.memory_space<hbm>>
      %dma_wait3A_33 = tpu.memref_slice %arg3[%mul3A_4] : memref<320000xi32, #tpu.memory_space<hbm>> -> memref<10000xi32, #tpu.memory_space<hbm>>
      tpu.wait_dma2 semaphore(%run_scoped3A : memref<!tpu.dma_semaphore, #tpu.memory_space<semaphore_mem>>) src(%dma_wait3A_33 : memref<10000xi32, #tpu.memory_space<hbm>>) dst(%arg7 : memref<10000xi32, #tpu.memory_space<vmem>>)
      tpu.yield
    }) : () -> ()
    %barrier3A = arith.constant 0 : index
    tpu.barrier barrier_id(%barrier3A)
    %add3A_5 = arith.constant 0 : i32
    %add3A_6 = arith.addi %mul3A_4, %add3A_5 : i32
    %dma_start3A = tpu.memref_slice %arg4[%add3A_6] : memref<320000xi32, #tpu.memory_space<hbm>> -> memref<200xi32, #tpu.memory_space<hbm>>
    %dma_start3A_7 = tpu.memref_slice %arg4[%add3A_6] : memref<320000xi32, #tpu.memory_space<hbm>> -> memref<200xi32, #tpu.memory_space<hbm>>
    tpu.enqueue_dma source(%dma_start3A_7 : memref<200xi32, #tpu.memory_space<hbm>>) target(%arg8 : memref<200xi32, #tpu.memory_space<vmem>>) target_semaphore(%arg15 : memref<!tpu.dma_semaphore, #tpu.memory_space<semaphore_mem>>)
    %dma_start3A_8 = arith.constant 0 : i32
    %dma_start3A_9 = tpu.memref_slice %arg7[%dma_start3A_8] : memref<10000xi32, #tpu.memory_space<vmem>> -> memref<200xi32, #tpu.memory_space<vmem>>
    %dma_start3A_10 = arith.constant 0 : i32
    %dma_start3A_11 = arith.constant 0 : i32
    %dma_start3A_12 = tpu.memref_slice %arg2[%dma_start3A_10, %dma_start3A_11] : memref<10240x128xf32, #tpu.memory_space<hbm>> -> memref<10240x128xf32, #tpu.memory_space<hbm>>
    tpu.enqueue_indirect_dma source(%dma_start3A_12 : memref<10240x128xf32, #tpu.memory_space<hbm>>) target(%arg10 : memref<200x128xf32, #tpu.memory_space<vmem>>) offsets(%dma_start3A_9 : memref<200xi32, #tpu.memory_space<vmem>>) semaphore(%arg13 : memref<!tpu.dma_semaphore, #tpu.memory_space<semaphore_mem>>)
    %add3A_13 = arith.constant 200 : i32
    %add3A_14 = arith.addi %mul3A_4, %add3A_13 : i32
    %dma_start3A_15 = tpu.memref_slice %arg4[%add3A_14] : memref<320000xi32, #tpu.memory_space<hbm>> -> memref<200xi32, #tpu.memory_space<hbm>>
    %dma_start3A_16 = tpu.memref_slice %arg4[%add3A_14] : memref<320000xi32, #tpu.memory_space<hbm>> -> memref<200xi32, #tpu.memory_space<hbm>>
    tpu.enqueue_dma source(%dma_start3A_16 : memref<200xi32, #tpu.memory_space<hbm>>) target(%arg9 : memref<200xi32, #tpu.memory_space<vmem>>) target_semaphore(%arg16 : memref<!tpu.dma_semaphore, #tpu.memory_space<semaphore_mem>>)
    %dma_start3A_17 = arith.constant 200 : i32
    %dma_start3A_18 = tpu.memref_slice %arg7[%dma_start3A_17] : memref<10000xi32, #tpu.memory_space<vmem>> -> memref<200xi32, #tpu.memory_space<vmem>>
    %dma_start3A_19 = arith.constant 0 : i32
    %dma_start3A_20 = arith.constant 0 : i32
    %dma_start3A_21 = tpu.memref_slice %arg2[%dma_start3A_19, %dma_start3A_20] : memref<10240x128xf32, #tpu.memory_space<hbm>> -> memref<10240x128xf32, #tpu.memory_space<hbm>>
    tpu.enqueue_indirect_dma source(%dma_start3A_21 : memref<10240x128xf32, #tpu.memory_space<hbm>>) target(%arg11 : memref<200x128xf32, #tpu.memory_space<vmem>>) offsets(%dma_start3A_18 : memref<200xi32, #tpu.memory_space<vmem>>) semaphore(%arg14 : memref<!tpu.dma_semaphore, #tpu.memory_space<semaphore_mem>>)
    %scan3A = arith.constant 0 : i32
    %scan3A_22 = arith.constant 25 : i32
    %scan3A_23 = arith.addi %scan3A, %scan3A_22 : i32
    %scan3A_24 = arith.constant 1 : i32
    scf.for %scan3A_31 = %scan3A to %scan3A_23 step %scan3A_24  : i32 {
      %mul3A_32 = arith.constant 1 : i32
      %mul3A_33 = arith.muli %scan3A_31, %mul3A_32 : i32
      %add3A_34 = arith.constant 0 : i32
      %add3A_35 = arith.addi %add3A_34, %mul3A_33 : i32
      %mul3A_36 = arith.constant 2 : i32
      %mul3A_37 = arith.muli %add3A_35, %mul3A_36 : i32
      %add3A_38 = arith.constant 0 : i32
      %add3A_39 = arith.addi %mul3A_37, %add3A_38 : i32
      %mul3A_40 = arith.constant 200 : i32
      %mul3A_41 = arith.muli %add3A_39, %mul3A_40 : i32
      %add3A_42 = arith.addi %mul3A_4, %mul3A_41 : i32
      %dma_wait3A = tpu.memref_slice %arg4[%add3A_42] : memref<320000xi32, #tpu.memory_space<hbm>> -> memref<200xi32, #tpu.memory_space<hbm>>
      %dma_wait3A_43 = tpu.memref_slice %arg4[%add3A_42] : memref<320000xi32, #tpu.memory_space<hbm>> -> memref<200xi32, #tpu.memory_space<hbm>>
      tpu.wait_dma2 semaphore(%arg15 : memref<!tpu.dma_semaphore, #tpu.memory_space<semaphore_mem>>) src(%dma_wait3A_43 : memref<200xi32, #tpu.memory_space<hbm>>) dst(%arg8 : memref<200xi32, #tpu.memory_space<vmem>>)
      %mul3A_44 = arith.constant 200 : i32
      %mul3A_45 = arith.muli %add3A_39, %mul3A_44 : i32
      %dma_wait3A_46 = tpu.memref_slice %arg7[%mul3A_45] : memref<10000xi32, #tpu.memory_space<vmem>> -> memref<200xi32, #tpu.memory_space<vmem>>
      %dma_wait3A_47 = arith.constant 0 : i32
      %dma_wait3A_48 = arith.constant 0 : i32
      %dma_wait3A_49 = tpu.memref_slice %arg2[%dma_wait3A_47, %dma_wait3A_48] : memref<10240x128xf32, #tpu.memory_space<hbm>> -> memref<10240x128xf32, #tpu.memory_space<hbm>>
      tpu.wait_indirect_dma semaphore(%arg13 : memref<!tpu.dma_semaphore, #tpu.memory_space<semaphore_mem>>) src(%dma_wait3A_49 : memref<10240x128xf32, #tpu.memory_space<hbm>>) dst(%arg10 : memref<200x128xf32, #tpu.memory_space<vmem>>)
      "tpu.region"() ({
        %run_scoped3A = tpu.sem_alloc : memref<!tpu.dma_semaphore, #tpu.memory_space<semaphore_mem>>
        %dma_start3A_76 = arith.constant 0 : i32
        %dma_start3A_77 = arith.constant 0 : i32
        %dma_start3A_78 = tpu.memref_slice %arg12[%dma_start3A_76, %dma_start3A_77] : memref<5120x128xf32, #tpu.memory_space<vmem_shared>> -> memref<5120x128xf32, #tpu.memory_space<vmem_shared>>
        tpu.enqueue_indirect_dma source(%arg10 : memref<200x128xf32, #tpu.memory_space<vmem>>) target(%dma_start3A_78 : memref<5120x128xf32, #tpu.memory_space<vmem_shared>>) offsets(%arg8 : memref<200xi32, #tpu.memory_space<vmem>>) semaphore(%run_scoped3A : memref<!tpu.dma_semaphore, #tpu.memory_space<semaphore_mem>>) {add = true}
        %dma_wait3A_79 = arith.constant 0 : i32
        %dma_wait3A_80 = arith.constant 0 : i32
        %dma_wait3A_81 = tpu.memref_slice %arg12[%dma_wait3A_79, %dma_wait3A_80] : memref<5120x128xf32, #tpu.memory_space<vmem_shared>> -> memref<5120x128xf32, #tpu.memory_space<vmem_shared>>
        tpu.wait_indirect_dma semaphore(%run_scoped3A : memref<!tpu.dma_semaphore, #tpu.memory_space<semaphore_mem>>) src(%arg10 : memref<200x128xf32, #tpu.memory_space<vmem>>) dst(%dma_wait3A_81 : memref<5120x128xf32, #tpu.memory_space<vmem_shared>>)
        tpu.yield
      }) : () -> ()
      %add3A_50 = arith.constant 2 : i32
      %add3A_51 = arith.addi %add3A_39, %add3A_50 : i32
      %lt3A = arith.constant 50 : i32
      %lt3A_52 = arith.cmpi slt, %add3A_51, %lt3A : i32
      %convert_element_type3A = arith.extui %lt3A_52 : i1 to i32
      %cond3A = arith.constant 0 : i32
      %cond3A_53 = arith.cmpi ne, %convert_element_type3A, %cond3A : i32
      scf.if %cond3A_53 {
        %add3A_76 = arith.constant 2 : i32
        %add3A_77 = arith.addi %add3A_39, %add3A_76 : i32
        %mul3A_78 = arith.constant 200 : i32
        %mul3A_79 = arith.muli %add3A_77, %mul3A_78 : i32
        %add3A_80 = arith.addi %mul3A_4, %mul3A_79 : i32
        %dma_start3A_81 = tpu.memref_slice %arg4[%add3A_80] : memref<320000xi32, #tpu.memory_space<hbm>> -> memref<200xi32, #tpu.memory_space<hbm>>
        %dma_start3A_82 = tpu.memref_slice %arg4[%add3A_80] : memref<320000xi32, #tpu.memory_space<hbm>> -> memref<200xi32, #tpu.memory_space<hbm>>
        tpu.enqueue_dma source(%dma_start3A_82 : memref<200xi32, #tpu.memory_space<hbm>>) target(%arg8 : memref<200xi32, #tpu.memory_space<vmem>>) target_semaphore(%arg15 : memref<!tpu.dma_semaphore, #tpu.memory_space<semaphore_mem>>)
        %mul3A_83 = arith.constant 200 : i32
        %mul3A_84 = arith.muli %add3A_77, %mul3A_83 : i32
        %dma_start3A_85 = tpu.memref_slice %arg7[%mul3A_84] : memref<10000xi32, #tpu.memory_space<vmem>> -> memref<200xi32, #tpu.memory_space<vmem>>
        %dma_start3A_86 = arith.constant 0 : i32
        %dma_start3A_87 = arith.constant 0 : i32
        %dma_start3A_88 = tpu.memref_slice %arg2[%dma_start3A_86, %dma_start3A_87] : memref<10240x128xf32, #tpu.memory_space<hbm>> -> memref<10240x128xf32, #tpu.memory_space<hbm>>
        tpu.enqueue_indirect_dma source(%dma_start3A_88 : memref<10240x128xf32, #tpu.memory_space<hbm>>) target(%arg10 : memref<200x128xf32, #tpu.memory_space<vmem>>) offsets(%dma_start3A_85 : memref<200xi32, #tpu.memory_space<vmem>>) semaphore(%arg13 : memref<!tpu.dma_semaphore, #tpu.memory_space<semaphore_mem>>)
      } else {
      }
      %mul3A_54 = arith.constant 2 : i32
      %mul3A_55 = arith.muli %add3A_35, %mul3A_54 : i32
      %add3A_56 = arith.constant 1 : i32
      %add3A_57 = arith.addi %mul3A_55, %add3A_56 : i32
      %mul3A_58 = arith.constant 200 : i32
      %mul3A_59 = arith.muli %add3A_57, %mul3A_58 : i32
      %add3A_60 = arith.addi %mul3A_4, %mul3A_59 : i32
      %dma_wait3A_61 = tpu.memref_slice %arg4[%add3A_60] : memref<320000xi32, #tpu.memory_space<hbm>> -> memref<200xi32, #tpu.memory_space<hbm>>
      %dma_wait3A_62 = tpu.memref_slice %arg4[%add3A_60] : memref<320000xi32, #tpu.memory_space<hbm>> -> memref<200xi32, #tpu.memory_space<hbm>>
      tpu.wait_dma2 semaphore(%arg16 : memref<!tpu.dma_semaphore, #tpu.memory_space<semaphore_mem>>) src(%dma_wait3A_62 : memref<200xi32, #tpu.memory_space<hbm>>) dst(%arg9 : memref<200xi32, #tpu.memory_space<vmem>>)
      %mul3A_63 = arith.constant 200 : i32
      %mul3A_64 = arith.muli %add3A_57, %mul3A_63 : i32
      %dma_wait3A_65 = tpu.memref_slice %arg7[%mul3A_64] : memref<10000xi32, #tpu.memory_space<vmem>> -> memref<200xi32, #tpu.memory_space<vmem>>
      %dma_wait3A_66 = arith.constant 0 : i32
      %dma_wait3A_67 = arith.constant 0 : i32
      %dma_wait3A_68 = tpu.memref_slice %arg2[%dma_wait3A_66, %dma_wait3A_67] : memref<10240x128xf32, #tpu.memory_space<hbm>> -> memref<10240x128xf32, #tpu.memory_space<hbm>>
      tpu.wait_indirect_dma semaphore(%arg14 : memref<!tpu.dma_semaphore, #tpu.memory_space<semaphore_mem>>) src(%dma_wait3A_68 : memref<10240x128xf32, #tpu.memory_space<hbm>>) dst(%arg11 : memref<200x128xf32, #tpu.memory_space<vmem>>)
      "tpu.region"() ({
        %run_scoped3A = tpu.sem_alloc : memref<!tpu.dma_semaphore, #tpu.memory_space<semaphore_mem>>
        %dma_start3A_76 = arith.constant 0 : i32
        %dma_start3A_77 = arith.constant 0 : i32
        %dma_start3A_78 = tpu.memref_slice %arg12[%dma_start3A_76, %dma_start3A_77] : memref<5120x128xf32, #tpu.memory_space<vmem_shared>> -> memref<5120x128xf32, #tpu.memory_space<vmem_shared>>
        tpu.enqueue_indirect_dma source(%arg11 : memref<200x128xf32, #tpu.memory_space<vmem>>) target(%dma_start3A_78 : memref<5120x128xf32, #tpu.memory_space<vmem_shared>>) offsets(%arg9 : memref<200xi32, #tpu.memory_space<vmem>>) semaphore(%run_scoped3A : memref<!tpu.dma_semaphore, #tpu.memory_space<semaphore_mem>>) {add = true}
        %dma_wait3A_79 = arith.constant 0 : i32
        %dma_wait3A_80 = arith.constant 0 : i32
        %dma_wait3A_81 = tpu.memref_slice %arg12[%dma_wait3A_79, %dma_wait3A_80] : memref<5120x128xf32, #tpu.memory_space<vmem_shared>> -> memref<5120x128xf32, #tpu.memory_space<vmem_shared>>
        tpu.wait_indirect_dma semaphore(%run_scoped3A : memref<!tpu.dma_semaphore, #tpu.memory_space<semaphore_mem>>) src(%arg11 : memref<200x128xf32, #tpu.memory_space<vmem>>) dst(%dma_wait3A_81 : memref<5120x128xf32, #tpu.memory_space<vmem_shared>>)
        tpu.yield
      }) : () -> ()
      %add3A_69 = arith.constant 2 : i32
      %add3A_70 = arith.addi %add3A_57, %add3A_69 : i32
      %lt3A_71 = arith.constant 50 : i32
      %lt3A_72 = arith.cmpi slt, %add3A_70, %lt3A_71 : i32
      %convert_element_type3A_73 = arith.extui %lt3A_72 : i1 to i32
      %cond3A_74 = arith.constant 0 : i32
      %cond3A_75 = arith.cmpi ne, %convert_element_type3A_73, %cond3A_74 : i32
      scf.if %cond3A_75 {
        %add3A_76 = arith.constant 2 : i32
        %add3A_77 = arith.addi %add3A_57, %add3A_76 : i32
        %mul3A_78 = arith.constant 200 : i32
        %mul3A_79 = arith.muli %add3A_77, %mul3A_78 : i32
        %add3A_80 = arith.addi %mul3A_4, %mul3A_79 : i32
        %dma_start3A_81 = tpu.memref_slice %arg4[%add3A_80] : memref<320000xi32, #tpu.memory_space<hbm>> -> memref<200xi32, #tpu.memory_space<hbm>>
        %dma_start3A_82 = tpu.memref_slice %arg4[%add3A_80] : memref<320000xi32, #tpu.memory_space<hbm>> -> memref<200xi32, #tpu.memory_space<hbm>>
        tpu.enqueue_dma source(%dma_start3A_82 : memref<200xi32, #tpu.memory_space<hbm>>) target(%arg9 : memref<200xi32, #tpu.memory_space<vmem>>) target_semaphore(%arg16 : memref<!tpu.dma_semaphore, #tpu.memory_space<semaphore_mem>>)
        %mul3A_83 = arith.constant 200 : i32
        %mul3A_84 = arith.muli %add3A_77, %mul3A_83 : i32
        %dma_start3A_85 = tpu.memref_slice %arg7[%mul3A_84] : memref<10000xi32, #tpu.memory_space<vmem>> -> memref<200xi32, #tpu.memory_space<vmem>>
        %dma_start3A_86 = arith.constant 0 : i32
        %dma_start3A_87 = arith.constant 0 : i32
        %dma_start3A_88 = tpu.memref_slice %arg2[%dma_start3A_86, %dma_start3A_87] : memref<10240x128xf32, #tpu.memory_space<hbm>> -> memref<10240x128xf32, #tpu.memory_space<hbm>>
        tpu.enqueue_indirect_dma source(%dma_start3A_88 : memref<10240x128xf32, #tpu.memory_space<hbm>>) target(%arg11 : memref<200x128xf32, #tpu.memory_space<vmem>>) offsets(%dma_start3A_85 : memref<200xi32, #tpu.memory_space<vmem>>) semaphore(%arg14 : memref<!tpu.dma_semaphore, #tpu.memory_space<semaphore_mem>>)
      } else {
      }
    }
    %scan3A_25 = arith.constant 25 : i32
    %barrier3A_26 = arith.constant 0 : index
    tpu.barrier barrier_id(%barrier3A_26)
    %mul3A_27 = arith.constant 320 : i32
    %mul3A_28 = arith.muli %arg1, %mul3A_27 : i32
    %mul3A_29 = arith.constant 320 : i32
    %mul3A_30 = arith.muli %arg1, %mul3A_29 : i32
    "tpu.region"() ({
      %run_scoped3A = tpu.sem_alloc : memref<!tpu.dma_semaphore, #tpu.memory_space<semaphore_mem>>
      %dma_start3A_31 = arith.constant 0 : i32
      %dma_start3A_32 = tpu.memref_slice %arg6[%arg0, %mul3A_30, %dma_start3A_31] : memref<2x5120x128xf32, #tpu.memory_space<hbm>> -> memref<1x320x128xf32, #tpu.memory_space<hbm>>
      %dma_start3A_33 = tpu.memref_squeeze %dma_start3A_32 : memref<1x320x128xf32, #tpu.memory_space<hbm>> -> memref<320x128xf32, #tpu.memory_space<hbm>>
      %dma_start3A_34 = arith.constant 0 : i32
      %dma_start3A_35 = tpu.memref_slice %arg12[%mul3A_28, %dma_start3A_34] : memref<5120x128xf32, #tpu.memory_space<vmem_shared>> -> memref<320x128xf32, #tpu.memory_space<vmem_shared>>
      tpu.enqueue_dma source(%dma_start3A_35 : memref<320x128xf32, #tpu.memory_space<vmem_shared>>) target(%dma_start3A_33 : memref<320x128xf32, #tpu.memory_space<hbm>>) target_semaphore(%run_scoped3A : memref<!tpu.dma_semaphore, #tpu.memory_space<semaphore_mem>>)
      %dma_wait3A = arith.constant 0 : i32
      %dma_wait3A_36 = tpu.memref_slice %arg6[%arg0, %mul3A_30, %dma_wait3A] : memref<2x5120x128xf32, #tpu.memory_space<hbm>> -> memref<1x320x128xf32, #tpu.memory_space<hbm>>
      %dma_wait3A_37 = tpu.memref_squeeze %dma_wait3A_36 : memref<1x320x128xf32, #tpu.memory_space<hbm>> -> memref<320x128xf32, #tpu.memory_space<hbm>>
      %dma_wait3A_38 = arith.constant 0 : i32
      %dma_wait3A_39 = tpu.memref_slice %arg12[%mul3A_28, %dma_wait3A_38] : memref<5120x128xf32, #tpu.memory_space<vmem_shared>> -> memref<320x128xf32, #tpu.memory_space<vmem_shared>>
      tpu.wait_dma2 semaphore(%run_scoped3A : memref<!tpu.dma_semaphore, #tpu.memory_space<semaphore_mem>>) src(%dma_wait3A_39 : memref<320x128xf32, #tpu.memory_space<vmem_shared>>) dst(%dma_wait3A_37 : memref<320x128xf32, #tpu.memory_space<hbm>>)
      tpu.yield
    }) : () -> ()
    return
  }
}

module attributes {stable_mosaic.version = 14 : i64} {
  func.func @_z1_body(%arg0: i32, %arg1: memref<512x128xf32, #tpu.memory_space<vmem>>, %arg2: memref<128x128xf32, #tpu.memory_space<vmem>>, %arg3: memref<1x128xf32, #tpu.memory_space<vmem>>, %arg4: memref<128x128xf32, #tpu.memory_space<vmem>>, %arg5: memref<1x128xf32, #tpu.memory_space<vmem>>, %arg6: memref<128x128xf32, #tpu.memory_space<vmem>>, %arg7: memref<1x128xf32, #tpu.memory_space<vmem>>, %arg8: memref<32x512xf32, #tpu.memory_space<vmem>>, %arg9: memref<512x128xf32, #tpu.memory_space<vmem>>) attributes {dimension_semantics = [#tpu.dimension_semantics<arbitrary>], iteration_bounds = array<i64: 20>, scalar_prefetch = 0 : i64, scratch_operands = 0 : i64, tpu.core_type = #tpu.core_type<tc>, window_params = [{transform_indices = @transform_0, window_bounds = array<i64: 512, 128>}, {pipeline_mode = #tpu.pipeline_mode<synchronous>, transform_indices = @transform_1, window_bounds = array<i64: 128, 128>}, {pipeline_mode = #tpu.pipeline_mode<synchronous>, transform_indices = @transform_2, window_bounds = array<i64: 1, 128>}, {pipeline_mode = #tpu.pipeline_mode<synchronous>, transform_indices = @transform_3, window_bounds = array<i64: 128, 128>}, {pipeline_mode = #tpu.pipeline_mode<synchronous>, transform_indices = @transform_4, window_bounds = array<i64: 1, 128>}, {pipeline_mode = #tpu.pipeline_mode<synchronous>, transform_indices = @transform_5, window_bounds = array<i64: 128, 128>}, {pipeline_mode = #tpu.pipeline_mode<synchronous>, transform_indices = @transform_6, window_bounds = array<i64: 1, 128>}, {transform_indices = @transform_7, window_bounds = array<i64: 32, 512>}, {transform_indices = @transform_8, window_bounds = array<i64: 512, 128>}]} {
    %lt3A = arith.constant 10 : i32
    %lt3A_0 = arith.cmpi slt, %arg0, %lt3A : i32
    %get3A = arith.constant 0 : index
    %get3A_1 = arith.constant 0 : index
    %get3A_2 = vector.load %arg2[%get3A, %get3A_1] : memref<128x128xf32, #tpu.memory_space<vmem>>, vector<128x128xf32>
    %get3A_3 = arith.constant 0 : index
    %get3A_4 = arith.constant 0 : index
    %get3A_5 = vector.load %arg4[%get3A_3, %get3A_4] : memref<128x128xf32, #tpu.memory_space<vmem>>, vector<128x128xf32>
    %select_n3A = arith.select %lt3A_0, %get3A_2, %get3A_5 : vector<128x128xf32>
    %get3A_6 = arith.constant 0 : index
    %get3A_7 = arith.constant 0 : index
    %get3A_8 = vector.load %arg3[%get3A_6, %get3A_7] : memref<1x128xf32, #tpu.memory_space<vmem>>, vector<1x128xf32>
    %get3A_9 = arith.constant 0 : index
    %get3A_10 = arith.constant 0 : index
    %get3A_11 = vector.load %arg5[%get3A_9, %get3A_10] : memref<1x128xf32, #tpu.memory_space<vmem>>, vector<1x128xf32>
    %select_n3A_12 = arith.select %lt3A_0, %get3A_8, %get3A_11 : vector<1x128xf32>
    %get3A_13 = arith.constant 0 : index
    %get3A_14 = arith.constant 0 : index
    %get3A_15 = vector.load %arg1[%get3A_13, %get3A_14] : memref<512x128xf32, #tpu.memory_space<vmem>>, vector<512x128xf32>
    %dot_general3A = arith.constant dense<0.000000e+00> : vector<512x128xf32>
    %dot_general3A_16 = tpu.matmul %get3A_15, %select_n3A, %dot_general3A {dimension_numbers = #tpu.dot_dimension_numbers<[1], [1], [0], [0], [0, 0, 1, 0], [], []>, transpose_lhs_hint = false} : vector<512x128xf32>, vector<128x128xf32>, vector<512x128xf32> -> vector<512x128xf32>
    %add3A = vector.broadcast %select_n3A_12 : vector<1x128xf32> to vector<512x128xf32>
    %add3A_17 = arith.addf %dot_general3A_16, %add3A : vector<512x128xf32>
    %get3A_18 = arith.constant 0 : index
    %get3A_19 = arith.constant 0 : index
    %get3A_20 = vector.load %arg6[%get3A_18, %get3A_19] : memref<128x128xf32, #tpu.memory_space<vmem>>, vector<128x128xf32>
    %dot_general3A_21 = arith.constant dense<0.000000e+00> : vector<512x128xf32>
    %dot_general3A_22 = tpu.matmul %add3A_17, %get3A_20, %dot_general3A_21 {dimension_numbers = #tpu.dot_dimension_numbers<[1], [1], [0], [0], [0, 0, 1, 0], [], []>, transpose_lhs_hint = false} : vector<512x128xf32>, vector<128x128xf32>, vector<512x128xf32> -> vector<512x128xf32>
    %get3A_23 = arith.constant 0 : index
    %get3A_24 = arith.constant 0 : index
    %get3A_25 = vector.load %arg7[%get3A_23, %get3A_24] : memref<1x128xf32, #tpu.memory_space<vmem>>, vector<1x128xf32>
    %add3A_26 = vector.broadcast %get3A_25 : vector<1x128xf32> to vector<512x128xf32>
    %add3A_27 = arith.addf %dot_general3A_22, %add3A_26 : vector<512x128xf32>
    %get3A_28 = arith.constant 0 : index
    %get3A_29 = arith.constant 0 : index
    %get3A_30 = vector.load %arg8[%get3A_28, %get3A_29] : memref<32x512xf32, #tpu.memory_space<vmem>>, vector<32x512xf32>
    %broadcast_in_dim3A = arith.constant 1.000000e+00 : f32
    %broadcast_in_dim3A_31 = vector.broadcast %broadcast_in_dim3A : f32 to vector<32x1xf32>
    %dot_general3A_32 = arith.constant dense<0.000000e+00> : vector<512x1xf32>
    %dot_general3A_33 = tpu.matmul %get3A_30, %broadcast_in_dim3A_31, %dot_general3A_32 {dimension_numbers = #tpu.dot_dimension_numbers<[0], [0], [1], [1], [0, 1, 1, 1], [], []>, transpose_lhs_hint = false} : vector<32x512xf32>, vector<32x1xf32>, vector<512x1xf32> -> vector<512x1xf32>
    %lt3A_34 = arith.constant 10 : i32
    %lt3A_35 = arith.cmpi slt, %arg0, %lt3A_34 : i32
    %jit3A = arith.constant 0.000000e+00 : f32
    %broadcast_in_dim3A_36 = vector.broadcast %jit3A : f32 to vector<512x1xf32>
    %select_n3A_37 = arith.select %lt3A_35, %dot_general3A_33, %broadcast_in_dim3A_36 : vector<512x1xf32>
    %add3A_38 = arith.constant 1.000000e+00 : f32
    %add3A_39 = vector.broadcast %add3A_38 : f32 to vector<512x1xf32>
    %add3A_40 = arith.addf %add3A_39, %select_n3A_37 : vector<512x1xf32>
    %rsqrt3A = math.rsqrt %add3A_40 : vector<512x1xf32>
    %mul3A = vector.broadcast %rsqrt3A : vector<512x1xf32> to vector<512x128xf32>
    %mul3A_41 = arith.mulf %mul3A, %add3A_27 : vector<512x128xf32>
    %swap3A = arith.constant 0 : index
    %swap3A_42 = arith.constant 0 : index
    %swap3A_43 = vector.load %arg9[%swap3A, %swap3A_42] : memref<512x128xf32, #tpu.memory_space<vmem>>, vector<512x128xf32>
    tpu.vector_store %arg9[%swap3A, %swap3A_42], %mul3A_41 {strides = array<i32>} : memref<512x128xf32, #tpu.memory_space<vmem>>, vector<512x128xf32>,
    return
  }
  func.func @transform_0(%arg0: i32) -> (i32, i32) {
    %c0_i32 = arith.constant 0 : i32
    %c0_i32_0 = arith.constant 0 : i32
    return %arg0, %c0_i32 : i32, i32
  }
  func.func @transform_1(%arg0: i32) -> (i32, i32) {
    %c0_i32 = arith.constant 0 : i32
    %c0_i32_0 = arith.constant 0 : i32
    %c0_i32_1 = arith.constant 0 : i32
    return %c0_i32, %c0_i32_0 : i32, i32
  }
  func.func @transform_2(%arg0: i32) -> (i32, i32) {
    %c0_i32 = arith.constant 0 : i32
    %c0_i32_0 = arith.constant 0 : i32
    %c0_i32_1 = arith.constant 0 : i32
    return %c0_i32, %c0_i32_0 : i32, i32
  }
  func.func @transform_3(%arg0: i32) -> (i32, i32) {
    %c0_i32 = arith.constant 0 : i32
    %c0_i32_0 = arith.constant 0 : i32
    %c0_i32_1 = arith.constant 0 : i32
    return %c0_i32, %c0_i32_0 : i32, i32
  }
  func.func @transform_4(%arg0: i32) -> (i32, i32) {
    %c0_i32 = arith.constant 0 : i32
    %c0_i32_0 = arith.constant 0 : i32
    %c0_i32_1 = arith.constant 0 : i32
    return %c0_i32, %c0_i32_0 : i32, i32
  }
  func.func @transform_5(%arg0: i32) -> (i32, i32) {
    %c0_i32 = arith.constant 0 : i32
    %c0_i32_0 = arith.constant 0 : i32
    %c0_i32_1 = arith.constant 0 : i32
    return %c0_i32, %c0_i32_0 : i32, i32
  }
  func.func @transform_6(%arg0: i32) -> (i32, i32) {
    %c0_i32 = arith.constant 0 : i32
    %c0_i32_0 = arith.constant 0 : i32
    %c0_i32_1 = arith.constant 0 : i32
    return %c0_i32, %c0_i32_0 : i32, i32
  }
  func.func @transform_7(%arg0: i32) -> (i32, i32) {
    %min3A = arith.constant 9 : i32
    %min3A_0 = arith.minsi %arg0, %min3A : i32
    %c0_i32 = arith.constant 0 : i32
    %c0_i32_1 = arith.constant 0 : i32
    return %c0_i32, %min3A_0 : i32, i32
  }
  func.func @transform_8(%arg0: i32) -> (i32, i32) {
    %c0_i32 = arith.constant 0 : i32
    %c0_i32_0 = arith.constant 0 : i32
    return %arg0, %c0_i32 : i32, i32
  }
}

module attributes {stable_mosaic.version = 14 : i64} {
  func.func @_z2_body(%arg0: i32, %arg1: memref<512x128xf32, #tpu.memory_space<vmem>>, %arg2: memref<2x512x128xf32, #tpu.memory_space<vmem>>, %arg3: memref<32x512xf32, #tpu.memory_space<vmem>>, %arg4: memref<128x128xf32, #tpu.memory_space<vmem>>, %arg5: memref<1x128xf32, #tpu.memory_space<vmem>>, %arg6: memref<512x128xf32, #tpu.memory_space<vmem>>) attributes {dimension_semantics = [#tpu.dimension_semantics<arbitrary>], iteration_bounds = array<i64: 20>, scalar_prefetch = 0 : i64, scratch_operands = 0 : i64, tpu.core_type = #tpu.core_type<tc>, window_params = [{transform_indices = @transform_0, window_bounds = array<i64: 512, 128>}, {transform_indices = @transform_1, window_bounds = array<i64: 2, 512, 128>}, {transform_indices = @transform_2, window_bounds = array<i64: 32, 512>}, {pipeline_mode = #tpu.pipeline_mode<synchronous>, transform_indices = @transform_3, window_bounds = array<i64: 128, 128>}, {pipeline_mode = #tpu.pipeline_mode<synchronous>, transform_indices = @transform_4, window_bounds = array<i64: 1, 128>}, {transform_indices = @transform_5, window_bounds = array<i64: 512, 128>}]} {
    %lt3A = arith.constant 10 : i32
    %lt3A_0 = arith.cmpi slt, %arg0, %lt3A : i32
    %get3A = arith.constant 0 : index
    %get3A_1 = arith.constant 0 : index
    %get3A_2 = arith.constant 0 : index
    %get3A_3 = vector.load %arg2[%get3A, %get3A_1, %get3A_2] : memref<2x512x128xf32, #tpu.memory_space<vmem>>, vector<1x512x128xf32>
    %get3A_4 = vector.shape_cast %get3A_3 : vector<1x512x128xf32> to vector<512x128xf32>
    %get3A_5 = arith.constant 1 : index
    %get3A_6 = arith.constant 0 : index
    %get3A_7 = arith.constant 0 : index
    %get3A_8 = vector.load %arg2[%get3A_5, %get3A_6, %get3A_7] : memref<2x512x128xf32, #tpu.memory_space<vmem>>, vector<1x512x128xf32>
    %get3A_9 = vector.shape_cast %get3A_8 : vector<1x512x128xf32> to vector<512x128xf32>
    %add3A = arith.addf %get3A_4, %get3A_9 : vector<512x128xf32>
    %jit3A = arith.constant 0.000000e+00 : f32
    %broadcast_in_dim3A = vector.broadcast %jit3A : f32 to vector<512x128xf32>
    %select_n3A = arith.select %lt3A_0, %add3A, %broadcast_in_dim3A : vector<512x128xf32>
    %get3A_10 = arith.constant 0 : index
    %get3A_11 = arith.constant 0 : index
    %get3A_12 = vector.load %arg3[%get3A_10, %get3A_11] : memref<32x512xf32, #tpu.memory_space<vmem>>, vector<32x512xf32>
    %broadcast_in_dim3A_13 = arith.constant 1.000000e+00 : f32
    %broadcast_in_dim3A_14 = vector.broadcast %broadcast_in_dim3A_13 : f32 to vector<32x1xf32>
    %dot_general3A = arith.constant dense<0.000000e+00> : vector<512x1xf32>
    %dot_general3A_15 = tpu.matmul %get3A_12, %broadcast_in_dim3A_14, %dot_general3A {dimension_numbers = #tpu.dot_dimension_numbers<[0], [0], [1], [1], [0, 1, 1, 1], [], []>, transpose_lhs_hint = false} : vector<32x512xf32>, vector<32x1xf32>, vector<512x1xf32> -> vector<512x1xf32>
    %lt3A_16 = arith.constant 10 : i32
    %lt3A_17 = arith.cmpi slt, %arg0, %lt3A_16 : i32
    %jit3A_18 = arith.constant 0.000000e+00 : f32
    %broadcast_in_dim3A_19 = vector.broadcast %jit3A_18 : f32 to vector<512x1xf32>
    %select_n3A_20 = arith.select %lt3A_17, %dot_general3A_15, %broadcast_in_dim3A_19 : vector<512x1xf32>
    %add3A_21 = arith.constant 1.000000e+00 : f32
    %add3A_22 = vector.broadcast %add3A_21 : f32 to vector<512x1xf32>
    %add3A_23 = arith.addf %add3A_22, %select_n3A_20 : vector<512x1xf32>
    %rsqrt3A = math.rsqrt %add3A_23 : vector<512x1xf32>
    %get3A_24 = arith.constant 0 : index
    %get3A_25 = arith.constant 0 : index
    %get3A_26 = vector.load %arg1[%get3A_24, %get3A_25] : memref<512x128xf32, #tpu.memory_space<vmem>>, vector<512x128xf32>
    %add3A_27 = arith.addf %get3A_26, %select_n3A : vector<512x128xf32>
    %mul3A = vector.broadcast %rsqrt3A : vector<512x1xf32> to vector<512x128xf32>
    %mul3A_28 = arith.mulf %mul3A, %add3A_27 : vector<512x128xf32>
    %max3A = arith.constant 0.000000e+00 : f32
    %max3A_29 = vector.broadcast %max3A : f32 to vector<512x128xf32>
    %max3A_30 = arith.maximumf %mul3A_28, %max3A_29 : vector<512x128xf32>
    %get3A_31 = arith.constant 0 : index
    %get3A_32 = arith.constant 0 : index
    %get3A_33 = vector.load %arg4[%get3A_31, %get3A_32] : memref<128x128xf32, #tpu.memory_space<vmem>>, vector<128x128xf32>
    %dot_general3A_34 = arith.constant dense<0.000000e+00> : vector<512x128xf32>
    %dot_general3A_35 = tpu.matmul %max3A_30, %get3A_33, %dot_general3A_34 {dimension_numbers = #tpu.dot_dimension_numbers<[1], [1], [0], [0], [0, 0, 1, 0], [], []>, transpose_lhs_hint = false} : vector<512x128xf32>, vector<128x128xf32>, vector<512x128xf32> -> vector<512x128xf32>
    %get3A_36 = arith.constant 0 : index
    %get3A_37 = arith.constant 0 : index
    %get3A_38 = vector.load %arg5[%get3A_36, %get3A_37] : memref<1x128xf32, #tpu.memory_space<vmem>>, vector<1x128xf32>
    %add3A_39 = vector.broadcast %get3A_38 : vector<1x128xf32> to vector<512x128xf32>
    %add3A_40 = arith.addf %dot_general3A_35, %add3A_39 : vector<512x128xf32>
    %mul3A_41 = vector.broadcast %rsqrt3A : vector<512x1xf32> to vector<512x128xf32>
    %mul3A_42 = arith.mulf %mul3A_41, %add3A_40 : vector<512x128xf32>
    %swap3A = arith.constant 0 : index
    %swap3A_43 = arith.constant 0 : index
    %swap3A_44 = vector.load %arg6[%swap3A, %swap3A_43] : memref<512x128xf32, #tpu.memory_space<vmem>>, vector<512x128xf32>
    tpu.vector_store %arg6[%swap3A, %swap3A_43], %mul3A_42 {strides = array<i32>} : memref<512x128xf32, #tpu.memory_space<vmem>>, vector<512x128xf32>,
    return
  }
  func.func @transform_0(%arg0: i32) -> (i32, i32) {
    %c0_i32 = arith.constant 0 : i32
    %c0_i32_0 = arith.constant 0 : i32
    return %arg0, %c0_i32 : i32, i32
  }
  func.func @transform_1(%arg0: i32) -> (i32, i32, i32) {
    %min3A = arith.constant 9 : i32
    %min3A_0 = arith.minsi %arg0, %min3A : i32
    %c0_i32 = arith.constant 0 : i32
    %c0_i32_1 = arith.constant 0 : i32
    %c0_i32_2 = arith.constant 0 : i32
    return %c0_i32, %min3A_0, %c0_i32_1 : i32, i32, i32
  }
  func.func @transform_2(%arg0: i32) -> (i32, i32) {
    %min3A = arith.constant 9 : i32
    %min3A_0 = arith.minsi %arg0, %min3A : i32
    %c0_i32 = arith.constant 0 : i32
    %c0_i32_1 = arith.constant 0 : i32
    return %c0_i32, %min3A_0 : i32, i32
  }
  func.func @transform_3(%arg0: i32) -> (i32, i32) {
    %c0_i32 = arith.constant 0 : i32
    %c0_i32_0 = arith.constant 0 : i32
    %c0_i32_1 = arith.constant 0 : i32
    return %c0_i32, %c0_i32_0 : i32, i32
  }
  func.func @transform_4(%arg0: i32) -> (i32, i32) {
    %c0_i32 = arith.constant 0 : i32
    %c0_i32_0 = arith.constant 0 : i32
    %c0_i32_1 = arith.constant 0 : i32
    return %c0_i32, %c0_i32_0 : i32, i32
  }
  func.func @transform_5(%arg0: i32) -> (i32, i32) {
    %c0_i32 = arith.constant 0 : i32
    %c0_i32_0 = arith.constant 0 : i32
    return %arg0, %c0_i32 : i32, i32
  }
}

module attributes {stable_mosaic.version = 14 : i64} {
  func.func @_proj_body(%arg0: i32, %arg1: memref<512x128xf32, #tpu.memory_space<vmem>>, %arg2: memref<2x512x128xf32, #tpu.memory_space<vmem>>, %arg3: memref<32x512xf32, #tpu.memory_space<vmem>>, %arg4: memref<8x128xf32, #tpu.memory_space<vmem>>, %arg5: memref<8x128xf32, #tpu.memory_space<vmem>>, %arg6: memref<8x512xf32, #tpu.memory_space<vmem>>) attributes {dimension_semantics = [#tpu.dimension_semantics<arbitrary>], iteration_bounds = array<i64: 20>, scalar_prefetch = 0 : i64, scratch_operands = 0 : i64, tpu.core_type = #tpu.core_type<tc>, window_params = [{transform_indices = @transform_0, window_bounds = array<i64: 512, 128>}, {transform_indices = @transform_1, window_bounds = array<i64: 2, 512, 128>}, {transform_indices = @transform_2, window_bounds = array<i64: 32, 512>}, {pipeline_mode = #tpu.pipeline_mode<synchronous>, transform_indices = @transform_3, window_bounds = array<i64: 8, 128>}, {pipeline_mode = #tpu.pipeline_mode<synchronous>, transform_indices = @transform_4, window_bounds = array<i64: 8, 128>}, {transform_indices = @transform_5, window_bounds = array<i64: 8, 512>}]} {
    %lt3A = arith.constant 10 : i32
    %lt3A_0 = arith.cmpi slt, %arg0, %lt3A : i32
    %get3A = arith.constant 0 : index
    %get3A_1 = arith.constant 0 : index
    %get3A_2 = arith.constant 0 : index
    %get3A_3 = vector.load %arg2[%get3A, %get3A_1, %get3A_2] : memref<2x512x128xf32, #tpu.memory_space<vmem>>, vector<1x512x128xf32>
    %get3A_4 = vector.shape_cast %get3A_3 : vector<1x512x128xf32> to vector<512x128xf32>
    %get3A_5 = arith.constant 1 : index
    %get3A_6 = arith.constant 0 : index
    %get3A_7 = arith.constant 0 : index
    %get3A_8 = vector.load %arg2[%get3A_5, %get3A_6, %get3A_7] : memref<2x512x128xf32, #tpu.memory_space<vmem>>, vector<1x512x128xf32>
    %get3A_9 = vector.shape_cast %get3A_8 : vector<1x512x128xf32> to vector<512x128xf32>
    %add3A = arith.addf %get3A_4, %get3A_9 : vector<512x128xf32>
    %jit3A = arith.constant 0.000000e+00 : f32
    %broadcast_in_dim3A = vector.broadcast %jit3A : f32 to vector<512x128xf32>
    %select_n3A = arith.select %lt3A_0, %add3A, %broadcast_in_dim3A : vector<512x128xf32>
    %get3A_10 = arith.constant 0 : index
    %get3A_11 = arith.constant 0 : index
    %get3A_12 = vector.load %arg3[%get3A_10, %get3A_11] : memref<32x512xf32, #tpu.memory_space<vmem>>, vector<32x512xf32>
    %broadcast_in_dim3A_13 = arith.constant 1.000000e+00 : f32
    %broadcast_in_dim3A_14 = vector.broadcast %broadcast_in_dim3A_13 : f32 to vector<32x1xf32>
    %dot_general3A = arith.constant dense<0.000000e+00> : vector<512x1xf32>
    %dot_general3A_15 = tpu.matmul %get3A_12, %broadcast_in_dim3A_14, %dot_general3A {dimension_numbers = #tpu.dot_dimension_numbers<[0], [0], [1], [1], [0, 1, 1, 1], [], []>, transpose_lhs_hint = false} : vector<32x512xf32>, vector<32x1xf32>, vector<512x1xf32> -> vector<512x1xf32>
    %lt3A_16 = arith.constant 10 : i32
    %lt3A_17 = arith.cmpi slt, %arg0, %lt3A_16 : i32
    %jit3A_18 = arith.constant 0.000000e+00 : f32
    %broadcast_in_dim3A_19 = vector.broadcast %jit3A_18 : f32 to vector<512x1xf32>
    %select_n3A_20 = arith.select %lt3A_17, %dot_general3A_15, %broadcast_in_dim3A_19 : vector<512x1xf32>
    %add3A_21 = arith.constant 1.000000e+00 : f32
    %add3A_22 = vector.broadcast %add3A_21 : f32 to vector<512x1xf32>
    %add3A_23 = arith.addf %add3A_22, %select_n3A_20 : vector<512x1xf32>
    %rsqrt3A = math.rsqrt %add3A_23 : vector<512x1xf32>
    %get3A_24 = arith.constant 0 : index
    %get3A_25 = arith.constant 0 : index
    %get3A_26 = vector.load %arg1[%get3A_24, %get3A_25] : memref<512x128xf32, #tpu.memory_space<vmem>>, vector<512x128xf32>
    %add3A_27 = arith.addf %get3A_26, %select_n3A : vector<512x128xf32>
    %mul3A = vector.broadcast %rsqrt3A : vector<512x1xf32> to vector<512x128xf32>
    %mul3A_28 = arith.mulf %mul3A, %add3A_27 : vector<512x128xf32>
    %max3A = arith.constant 0.000000e+00 : f32
    %max3A_29 = vector.broadcast %max3A : f32 to vector<512x128xf32>
    %max3A_30 = arith.maximumf %mul3A_28, %max3A_29 : vector<512x128xf32>
    %get3A_31 = arith.constant 0 : index
    %get3A_32 = arith.constant 0 : index
    %get3A_33 = vector.load %arg4[%get3A_31, %get3A_32] : memref<8x128xf32, #tpu.memory_space<vmem>>, vector<8x128xf32>
    %dot_general3A_34 = arith.constant dense<0.000000e+00> : vector<8x512xf32>
    %dot_general3A_35 = tpu.matmul %get3A_33, %max3A_30, %dot_general3A_34 {dimension_numbers = #tpu.dot_dimension_numbers<[1], [1], [0], [0], [0, 0, 1, 0], [], []>, transpose_lhs_hint = false} : vector<8x128xf32>, vector<512x128xf32>, vector<8x512xf32> -> vector<8x512xf32>
    %get3A_36 = arith.constant 0 : index
    %get3A_37 = arith.constant 0 : index
    %get3A_38 = vector.load %arg5[%get3A_36, %get3A_37] : memref<8x128xf32, #tpu.memory_space<vmem>>, vector<8x128xf32>
    %slice3A = vector.extract_strided_slice %get3A_38 {offsets = [0, 0], sizes = [8, 1], strides = [1, 1]} : vector<8x128xf32> to vector<8x1xf32>
    %add3A_39 = vector.broadcast %slice3A : vector<8x1xf32> to vector<8x512xf32>
    %add3A_40 = arith.addf %dot_general3A_35, %add3A_39 : vector<8x512xf32>
    %swap3A = arith.constant 0 : index
    %swap3A_41 = arith.constant 0 : index
    %swap3A_42 = vector.load %arg6[%swap3A, %swap3A_41] : memref<8x512xf32, #tpu.memory_space<vmem>>, vector<8x512xf32>
    tpu.vector_store %arg6[%swap3A, %swap3A_41], %add3A_40 {strides = array<i32>} : memref<8x512xf32, #tpu.memory_space<vmem>>, vector<8x512xf32>,
    return
  }
  func.func @transform_0(%arg0: i32) -> (i32, i32) {
    %c0_i32 = arith.constant 0 : i32
    %c0_i32_0 = arith.constant 0 : i32
    return %arg0, %c0_i32 : i32, i32
  }
  func.func @transform_1(%arg0: i32) -> (i32, i32, i32) {
    %min3A = arith.constant 9 : i32
    %min3A_0 = arith.minsi %arg0, %min3A : i32
    %c0_i32 = arith.constant 0 : i32
    %c0_i32_1 = arith.constant 0 : i32
    %c0_i32_2 = arith.constant 0 : i32
    return %c0_i32, %min3A_0, %c0_i32_1 : i32, i32, i32
  }
  func.func @transform_2(%arg0: i32) -> (i32, i32) {
    %min3A = arith.constant 9 : i32
    %min3A_0 = arith.minsi %arg0, %min3A : i32
    %c0_i32 = arith.constant 0 : i32
    %c0_i32_1 = arith.constant 0 : i32
    return %c0_i32, %min3A_0 : i32, i32
  }
  func.func @transform_3(%arg0: i32) -> (i32, i32) {
    %c0_i32 = arith.constant 0 : i32
    %c0_i32_0 = arith.constant 0 : i32
    %c0_i32_1 = arith.constant 0 : i32
    return %c0_i32, %c0_i32_0 : i32, i32
  }
  func.func @transform_4(%arg0: i32) -> (i32, i32) {
    %c0_i32 = arith.constant 0 : i32
    %c0_i32_0 = arith.constant 0 : i32
    %c0_i32_1 = arith.constant 0 : i32
    return %c0_i32, %c0_i32_0 : i32, i32
  }
  func.func @transform_5(%arg0: i32) -> (i32, i32) {
    %c0_i32 = arith.constant 0 : i32
    %c0_i32_0 = arith.constant 0 : i32
    return %c0_i32, %arg0 : i32, i32
  }
}

</mosaic_0001>

<sc_bundles>
// kernel: kernel.12.cloned.1.call-start
scs
__scs_entry_jumppad:
0x0: {  	(pc) =	sbr.rel $0x88, $3  }
0x1: {  	(tag) =	ssettag $0x0;
	lr =	simm.s32 $0x1  }
0x2: {  	[smem:$0x3F94] =	sst lr;
	_ =	strace $0xD0000000  }
0x3: {  	_ = 	snop  }
0x4: {  	_ = 	snop  }
0x5: {  	_ = 	snop  }
0x6: {  	_ = 	snop  }
0x7: {  	_ = 	snop  }
__scs_overlays_trampoline_lowered:
0x8: {  	[smem:$0x3FA3] =	sst s0  }
0x9: {  	[smem:$0x3FA4] =	sst s1  }
0xa: {  	[smem:$0x3FA5] =	sst s2  }
0xb: {  	[smem:$0x3FA6] =	sst s3  }
0xc: {  	[smem:$0x3FA7] =	sst s4  }
0xd: {  	[smem:$0x3FA8] =	sst s5  }
0xe: {  	[smem:$0x3FA9] =	sst s6  }
0xf: {  	[smem:$0x3FAA] =	sst s7  }
0x10: {  	[smem:$0x3FAB] =	sst s8  }
0x11: {  	[smem:$0x3FAC] =	sst s9;
	s0 =	simm.s32 @!p0 $0x0  }
0x12: {  	s1 =	sld [smem:$0x3F92];
	s0 =	simm.s32 @p0 $0x1  }
0x13: {  	[smem:$0x3FAD] =	sst s0;
	s0 =	simm.s32 @!p1 $0x0  }
0x14: {  	s2 =	sld [smem:$0x3F91];
	s0 =	simm.s32 @p1 $0x1  }
0x15: {  	[smem:$0x3FAE] =	sst s0;
	s0 =	simm.s32 @!p2 $0x0  }
0x16: {  	s3 =	sld [smem:$0x3FDB];
	s0 =	simm.s32 @p2 $0x1  }
0x17: {  	s4 =	simm.s32 $0x1BF5;
	[smem:$0x3FB0] =	sst s0  }
0x18: {  	s0 =	sld [smem:$0x3F93];
	_ =	swait.ge [sflag:s4], $0x0  }
0x19: {  	s7 =	sld [smem:$0x3F94]  }
0x1a: {  	s8 =	sadd.s32 $0xFFFFE003, lr  }
0x1b: {  	s9 =	sadd.s32 $0xFFFFFEF7, lr;
	s5 =	simm.s32 $0xFFFFFFFF;
	p2 =	slt.u32 s8, $0xFFFFF086  }
0x1c: {  	p1 =	slt.u32 s9, $0xF7A;
	s5 =	simm.s32 @!p2 $0x0  }
0x1d: {  	s5 =	simm.s32 @p1 $0x1;
	p0 =	seq.s32 s7, s2  }
0x1e: {  	s7 =	smul.u32 @!p0 $0xF7A, s2;
	p2 =	seq.s32 @!p0 s5, $0x0  }
0x1f: {  	s9 =	smul.u32 $0xF7A, s1;
	s8 =	simm.s32 @!p0 $0x1BF5;
	p2 =	por !p2, p0  }
0x20: {  	[sflag:s8] =	ssyncset.s32 @!p0 $0xFFFFF086;
	s6 =	sadd.s32 @!p0 s3, s7;
	s7 =	simm.s32 @!p0 $0x108  }
0x21: {  	s3 =	sadd.s32 s3, s9;
	s6 =	sadd.s32 @!p0 $0x88, s6;
	s7 =	simm.s32 @p2 $0x1082  }
0x22: {  	[simem:s7], [sflag:s8] =	dma.local @!p0 [hbm:s6], $0xF7A  }
0x23: {  	s9 =	sor.u32 $0xD0000000, s2;
	s6 =	simm.s32 $0x108;
	_ =	swait.ge @!p0 [sflag:s8], $0x0  }
0x24: {  	s3 =	sadd.s32 $0x88, s3;
	s6 =	simm.s32 @!p1 $0x1082;
	[sflag:s4] =	ssyncset.s32 $0xFFFFF086  }
0x25: {  	[simem:s6], [sflag:s4] =	dma.local [hbm:s3], $0xF7A  }
0x26: {  	[smem:$0x3F94] =	sst s1;
	(tag) =	ssettag s2;
	_ =	strace s9  }
0x27: {  	s1 =	sld [smem:$0x3FA4]  }
0x28: {  	s2 =	sld [smem:$0x3FA5]  }
0x29: {  	s4 =	sld [smem:$0x3FA7]  }
0x2a: {  	p0 =	seq.s32 s5, $0x0;
	s5 =	sld [smem:$0x3FA8]  }
0x2b: {  	s6 =	sld [smem:$0x3FA9]  }
0x2c: {  	s7 =	sld [smem:$0x3FAA]  }
0x2d: {  	s3 =	simm.s32 $0x108;
	s8 =	sld [smem:$0x3FAB]  }
0x2e: {  	s3 =	simm.s32 @!p0 $0x1082;
	s9 =	sld [smem:$0x3FAC]  }
0x2f: {  	lr =	sadd.s32 s0, s3;
	s0 =	sld [smem:$0x3FA3]  }
0x30: {  	s3 =	sld [smem:$0x3FA6]  }
0x31: {  	[smem:$0x3FAF] =	sst s10  }
0x32: {  	s10 =	sld [smem:$0x3FAD];
	_ =	sdelay $0x3  }
0x33: {  	p0 =	seq.s32 s10, $0x1;
	s10 =	sld [smem:$0x3FAF];
	_ =	sdelay $0x3  }
0x34: {  	[smem:$0x3FAF] =	sst s10  }
0x35: {  	s10 =	sld [smem:$0x3FAE];
	_ =	sdelay $0x3  }
0x36: {  	p1 =	seq.s32 s10, $0x1;
	s10 =	sld [smem:$0x3FAF];
	_ =	sdelay $0x3  }
0x37: {  	[smem:$0x3FAF] =	sst s10  }
0x38: {  	s10 =	sld [smem:$0x3FB0]  }
0x39: {  	_ = 	snop;
	(pc) =	sbr.ind lr, $3  }
0x3a: {  	_ = 	snop  }
0x3b: {  	_ = 	snop  }
0x3c: {  	p2 =	seq.s32 s10, $0x1;
	s10 =	sld [smem:$0x3FAF]  }
0x3d: {  	_ =	shalt  }
0x3e: {  	_ =	shalt  }
0x3f: {  	_ =	shalt  }
0x40: {  	_ =	shalt  }
0x41: {  	_ =	shalt  }
0x42: {  	_ =	shalt  }
0x43: {  	_ =	shalt  }
0x44: {  	_ =	shalt  }
0x45: {  	_ =	shalt  }
0x46: {  	_ =	shalt  }
0x47: {  	_ =	shalt  }
0x48: {  	_ =	shalt  }
0x49: {  	_ =	shalt  }
0x4a: {  	_ =	shalt  }
0x4b: {  	_ =	shalt  }
0x4c: {  	_ =	shalt  }
0x4d: {  	_ =	shalt  }
0x4e: {  	_ =	shalt  }
0x4f: {  	_ =	shalt  }
0x50: {  	_ =	shalt  }
0x51: {  	_ =	shalt  }
0x52: {  	_ =	shalt  }
0x53: {  	_ =	shalt  }
0x54: {  	_ =	shalt  }
0x55: {  	_ =	shalt  }
0x56: {  	_ =	shalt  }
0x57: {  	_ =	shalt  }
0x58: {  	_ =	shalt  }
0x59: {  	_ =	shalt  }
0x5a: {  	_ =	shalt  }
0x5b: {  	_ =	shalt  }
0x5c: {  	_ =	shalt  }
0x5d: {  	_ =	shalt  }
0x5e: {  	_ =	shalt  }
0x5f: {  	_ =	shalt  }
0x60: {  	_ =	shalt  }
0x61: {  	_ =	shalt  }
0x62: {  	_ =	shalt  }
0x63: {  	_ =	shalt  }
0x64: {  	_ =	shalt  }
0x65: {  	_ =	shalt  }
0x66: {  	_ =	shalt  }
0x67: {  	_ =	shalt  }
0x68: {  	_ =	shalt  }
0x69: {  	_ =	shalt  }
0x6a: {  	_ =	shalt  }
0x6b: {  	_ =	shalt  }
0x6c: {  	_ =	shalt  }
0x6d: {  	_ =	shalt  }
0x6e: {  	_ =	shalt  }
0x6f: {  	_ =	shalt  }
0x70: {  	_ =	shalt  }
0x71: {  	_ =	shalt  }
0x72: {  	_ =	shalt  }
0x73: {  	_ =	shalt  }
0x74: {  	_ =	shalt  }
0x75: {  	_ =	shalt  }
0x76: {  	_ =	shalt  }
0x77: {  	_ =	shalt  }
0x78: {  	_ =	shalt  }
0x79: {  	_ =	shalt  }
0x7a: {  	_ =	shalt  }
0x7b: {  	_ =	shalt  }
0x7c: {  	_ =	shalt  }
0x7d: {  	_ =	shalt  }
0x7e: {  	_ =	shalt  }
0x7f: {  	_ =	shalt  }
0x80: {  	_ =	shalt  }
0x81: {  	_ =	shalt  }
0x82: {  	_ =	shalt  }
0x83: {  	_ =	shalt  }
0x84: {  	_ =	shalt  }
0x85: {  	_ =	shalt  }
0x86: {  	_ =	shalt  }
0x87: {  	_ =	shalt  }
.Lfunc_end0:
.L_simem_size_0:
called_computation.1_lowered:
.L_overlay_start_0:
0x88: {  	s2 =	sld [smem:$0x3FD9]  }
0x89: {  	s3 =	sld [smem:$0x3FFE];
	_ =	sdelay $0x1  }
0x8a: {  	s1 =	srdreg.scid  }
0x8b: {  	s0 =	sand.u32 $0x1, s1  }
0x8c: {  	s17 =	sshll.u32 s0, $0xA;
	s2 =	sadd.s32 s3, s2  }
0x8d: {  	s2 =	sadd.s32 s2, s17  }
0x8e: {  	[smem:$0x3FBB] =	sst s2  }
0x8f: {  	_ = 	snop  }
0x90: {  	s2 =	sld [smem:$0x3FD0];
	(tm) =	ssettm $0x1  }
0x91: {  	s18 =	sld [smem:$0x3FFB];
	_ =	sdelay $0x3  }
0x92: {  	_ =	strace s18  }
0x93: {  	s3 =	sld [smem:$0x3FFC];
	_ =	sdelay $0x3  }
0x94: {  	_ =	strace s3  }
0x95: {  	s3 =	sld [smem:$0x3FFD];
	_ =	sdelay $0x3  }
0x96: {  	_ =	strace s3  }
0x97: {  	_ =	strace $0x8FFFFFFF  }
0x98: {  	s19 =	sld [smem:$0x3FDB];
	_ =	sdelay $0x1  }
0x99: {  	s4 =	simm.s32 $_scs_section_size  }
0x9a: {  	s5 =	simm.s32 $_size__tile_overlayer_lowered;
	s6 =	simm.s32 $_tile_overlayer_lowered  }
0x9b: {  	s22 =	simm.s32 $0x1BFF;
	s21 =	sshll.u32 s6, $0x1;
	s3 =	sadd.s32 s4, s19  }
0x9c: {  	s7 =	simm.s32 $0x0;
	s20 =	sshll.u32 s5, $0x1;
	s5 =	sadd.s32 s21, s3  }
0x9d: {  	[timem:s7], [sflag:s22] =	dma.local [hbm:s5], s20  }
0x9e: {  	_ =	swait.ge [sflag:s22], s20  }
0x9f: {  	s4 =	ssub.s32 $0x0, s20;
	[sflag:s22] =	ssyncset.done $0x0  }
0xa0: {  	[sflag:s22] =	ssyncadd.s32 s4;
	_ =	sdelay $0x1  }
0xa1: {  	s23 =	simm.s32 $0x1B8B  }
0xa2: {  	_ =	swait.ge [sflag:s23], $0x1  }
0xa3: {  	[sflag:s23] =	ssyncset.done $0x0  }
0xa4: {  	s25 =	simm.s32 $0x1B8E;
	s24 =	sld [smem:$0x3FFE];
	[sflag:s23] =	ssyncadd.s32 $0xFFFFFFFF  }
0xa5: {  	s26 =	simm.s32 $execute0_lowered;
	[smem:$0x3FD2] =	sst s25  }
0xa6: {  	s5 =	sshll.u32 s26, $0x1;
	_ =	strace $0x80000049;
	[dreg:$0x1] =	wrdreg $0xFFFFFFFF  }
0xa7: {  	s28 =	simm.s32 $_size_execute0_lowered;
	s3 =	sadd.s32 s3, s5;
	[dreg:$0x0] =	wrdreg $0x0  }
0xa8: {  	s5 =	sshll.u32 s28, $0x1;
	[dreg:$0x2] =	wrdreg s3  }
0xa9: {  	[dreg:$0x3] =	wrdreg s5  }
0xaa: {  	[dreg:$0x4] =	wrdreg $0xC0  }
0xab: {  	_ =	task [dreg:s7], $0x5FFFF  }
0xac: {  	[dreg:$0x1] =	wrdreg $0xFFFFFFFF  }
0xad: {  	[dreg:$0x0] =	wrdreg $0x60  }
0xae: {  	[dreg:$0x2] =	wrdreg s24  }
0xaf: {  	[dreg:$0x3] =	wrdreg s2  }
0xb0: {  	[dreg:$0x4] =	wrdreg $0xF1800  }
0xb1: {  	[dreg:$0x5] =	wrdreg $0x9  }
0xb2: {  	_ =	task.clear_ibuf [dreg:s7], $0x6FFFF;
	_ =	strace $0x90000049  }
0xb3: {  	s29 =	simm.s32 $0x9;
	_ =	strace $0x8000004B  }
0xb4: {  	_ =	swait.ge [sflag:s29], $0x1  }
0xb5: {  	[sflag:s29] =	ssyncadd.s32 $0xFFFFFFFF  }
0xb6: {  	_ =	strace $0x9000004B  }
0xb7: {  	_ =	sfence  }
0xb8: {  	s30 =	sld [smem:$0x0];
	_ =	sdelay $0x2  }
0xb9: {  	s31 =	sshll.u32 s1, $0xD;
	s1 =	sshrl.u32 s1, $0x2  }
0xba: {  	s3 =	sand.u32 $0x4000, s31;
	s1 =	sadd.s32 s1, s30  }
0xbb: {  	s0 =	sor.u32 s3, s0;
	s1 =	sshll.u32 s1, $0x11  }
0xbc: {  	s0 =	sor.u32 s1, s0  }
0xbd: {  	s0 =	sadd.s32 $0x8F2B, s0  }
0xbe: {  	[sflag:s0] =	ssyncadd.remote.s32 $0x1  }
0xbf: {  	_ =	sfence.sel $0xFFFF  }
0xc0: {  	[dreg:$0x0] =	wrdreg $0xFFFFFFFF;
	(pc) =	sbr.abs _section_cstart, $3  }
0xc1: {  	[dreg:$0x1] =	wrdreg $0xFFFFFFFF  }
0xc2: {  	_ =	task.clear_ibuf [dreg:s7], $0x2FFFF;
	_ =	strace $0x9FFFFFFF  }
0xc3: {  	(tm) =	ssettm $0x7FFFFFFF  }
tec
execute0_lowered:
.L_overlay_start_1:
0x0: {  	(tag) =	ssettag $0x1  }
0x1: {  	s0 =	srdreg.scid;
	s8 =	rddreg [dreg:$0x0]  }
0x2: {  	s20 =	stileid.u32;
	s2 =	rddreg [dreg:$0x1]  }
0x3: {  	s3 =	rddreg [dreg:$0x2];
	s4 =	simm.s32 $0x0;
	s19 =	simm.s32 $0x2980  }
0x4: {  	s7 =	sand.u32 $0x1, s0;
	[smem:$0x7FF] =	sst s4;
	s11 =	smul.u32 $0xA000, s20  }
0x5: {  	s5 =	sadd.s32 $0x17600, s8;
	s6 =	sadd.s32 $0xD800, s8;
	s14 =	smul.u32 $0x28000, s20  }
0x6: {  	s25 =	sshll.u32 s20, $0x6;
	s16 =	smul.u32 $0x2710, s20;
	s1 =	sshll.u32 s7, $0x4  }
0x7: {  	s10 =	smul.u32 $0xA0000, s7;
	_ =	strace $0x8000004A;
	s21 =	ssub.s32 $0x2, s7  }
0x8: {  	s23 =	smul.u32 $0x27100, s7;
	s7 =	sor.u32 $0x1C05, s25;
	s25 =	simm.s32 $0x2  }
0x9: {  	s1 =	sor.u32 s20, s1;
	s22 =	sshrl.u32 s21, $0x1;
	s24 =	sshrl.u32 s14, $0x2  }
0xa: {  	s20 =	simm.s32 $0x2880;
	s9 =	smul.u32 $0x2710, s1;
	s10 =	sadd.s32 s11, s10  }
0xb: {  	s17 =	ssub.s32 s21, s22;
	s18 =	sadd.s32 s24, s3;
	s28 =	sadd.s32 s16, s23  }
0xc: {  	s16 =	simm.s32 $0x5;
	s21 =	simm.s32 $0x8D80;
	s22 =	simm.s32 $0x3  }
0xd: {  	s23 =	simm.s32 $0x1;
	s24 =	simm.s32 $0x4;
	s10 =	sshrl.u32 s10, $0x3  }
0xe: {  	s30 =	sadd.s32 $0x258, s28;
	s14 =	sadd.s32 $0x190, s28;
	s12 =	sshrl.u32 s9, $0x3  }
0xf: {  	s15 =	sadd.s32 s10, s8;
	s26 =	sadd.s32 $0xC8, s9;
	s31 =	sshrl.u32 s30, $0x3  }
0x10: {  	s13 =	sadd.s32 s12, s8;
	s9 =	sadd.s32 s6, s12;
	s29 =	sshrl.u32 s26, $0x3  }
0x11: {  	s11 =	sadd.s32 $0x3F600, s15;
	s12 =	smax.u32 s17, $0x1;
	s15 =	sshrl.u32 s18, $0x3  }
0x12: {  	s17 =	simm.s32 $0x2780;
	s18 =	simm.s32 $0xC8;
	s26 =	simm.s32 $0x0  }
0x13: {  	s8 =	sadd.s32 $0x3A00, s13;
	s10 =	sadd.s32 s6, s29;
	s13 =	sadd.s32 s31, s6  }
.LBB2_1:
0x14: {  	[spmem:s15], [sflag:s7] =	dma.local [hbm:s2], $0x1400  }
0x15: {  	_ =	swait.ge [sflag:s16], $0x1400  }
0x16: {  	[sflag:s16] =	ssyncset.done $0x0  }
0x17: {  	[sflag:s16] =	ssyncadd.s32 $0xFFFFEC00  }
0x18: {  	[tilespmem:s4], [sflag:$0x5] =	stream.linear.gather [hbm4b:s8+s4], $0x2710, $0x38;
	[tilespmem:$0x19180] =	vst v63  }
0x19: {  	_ =	swait.ge [sflag:s16], $0x2710  }
0x1a: {  	[sflag:s16] =	ssyncset.done $0x0  }
0x1b: {  	[sflag:s16] =	ssyncadd.s32 $0xFFFFD8F0  }
0x1c: {  	[bflag:$0x0] =	sbarrier.arrive $0xFFFF  }
0x1d: {  	[tilespmem:s17], [sflag:$0x3] =	stream.linear.gather [hbm4b:s9+s4], $0xC8, $0x38;
	[tilespmem:$0x19180] =	vst v63  }
0x1e: {  	_ = 	snop  }
0x1f: {  	[tilespmem:s19], [sflag:$0x1] =	stream.indirect.gather [hbm4b:s5+s18], $0x80, s4, s18, $0xb8;
	[tilespmem:$0x19180] =	vst v63  }
0x20: {  	_ = 	snop  }
0x21: {  	[tilespmem:s20], [sflag:$0x4] =	stream.linear.gather [hbm4b:s10+s4], $0xC8, $0x38;
	[tilespmem:$0x19180] =	vst v63  }
0x22: {  	_ = 	snop  }
0x23: {  	[tilespmem:s21], [sflag:$0x2] =	stream.indirect.gather [hbm4b:s5+s18], $0x80, s18, s18, $0xb8;
	[tilespmem:$0x19180] =	vst v63  }
0x24: {  	_ =	swait.ge [sflag:s22], $0xC8  }
0x25: {  	[sflag:s22] =	ssyncset.done $0x0  }
0x26: {  	[sflag:s22] =	ssyncadd.s32 $0xFFFFFF38  }
0x27: {  	_ =	swait.ge [sflag:s23], $0x6400  }
0x28: {  	[sflag:s23] =	ssyncset.done $0x0  }
0x29: {  	[sflag:s23] =	ssyncadd.s32 $0xFFFF9C00  }
0x2a: {  	[spmem:s3] =	stream.indirect.scatter.add.f32 [tilespmem:s19], [sflag:$0x5], $0x80, s17, s18, $0xb8;
	[tilespmem:$0x19180] =	vst v63  }
0x2b: {  	_ =	swait.ge [sflag:s16], $0x6400  }
0x2c: {  	s28 =	sshrl.u32 s14, $0x3;
	[sflag:s16] =	ssyncset.done $0x0  }
0x2d: {  	s28 =	sadd.s32 s6, s28;
	[sflag:s16] =	ssyncadd.s32 $0xFFFF9C00  }
0x2e: {  	[tilespmem:s17], [sflag:$0x3] =	stream.linear.gather [hbm4b:s28+s4], $0xC8, $0x38;
	[tilespmem:$0x19180] =	vst v63  }
0x2f: {  	s28 =	simm.s32 $0x190  }
0x30: {  	[tilespmem:s19], [sflag:$0x1] =	stream.indirect.gather [hbm4b:s5+s18], $0x80, s28, s18, $0xb8;
	[tilespmem:$0x19180] =	vst v63  }
0x31: {  	_ =	swait.ge [sflag:s24], $0xC8  }
0x32: {  	[sflag:s24] =	ssyncset.done $0x0  }
0x33: {  	[sflag:s24] =	ssyncadd.s32 $0xFFFFFF38  }
0x34: {  	_ =	swait.ge [sflag:s25], $0x6400  }
0x35: {  	[sflag:s25] =	ssyncset.done $0x0  }
0x36: {  	[sflag:s25] =	ssyncadd.s32 $0xFFFF9C00  }
0x37: {  	[spmem:s3] =	stream.indirect.scatter.add.f32 [tilespmem:s21], [sflag:$0x5], $0x80, s20, s18, $0xb8;
	[tilespmem:$0x19180] =	vst v63  }
0x38: {  	_ =	swait.ge [sflag:s16], $0x6400  }
0x39: {  	[sflag:s16] =	ssyncset.done $0x0  }
0x3a: {  	s29 =	simm.s32 $0x32;
	s28 =	sadd.s32 $0x0, s13;
	[sflag:s16] =	ssyncadd.s32 $0xFFFF9C00  }
0x3b: {  	[tilespmem:s20], [sflag:$0x4] =	stream.linear.gather [hbm4b:s28+s4], $0xC8, $0x38;
	[tilespmem:$0x19180] =	vst v63  }
0x3c: {  	s30 =	simm.s32 $0x3E8;
	s31 =	sadd.s32 $0x190, s14;
	s28 =	simm.s32 $0x258  }
.LBB2_2:
0x3d: {  	[tilespmem:s21], [sflag:$0x2] =	stream.indirect.gather [hbm4b:s5+s18], $0x80, s28, s18, $0xb8;
	[tilespmem:$0x19180] =	vst v63  }
0x3e: {  	s1 =	smov.u32 s29;
	s28 =	smov.u32 s30  }
0x3f: {  	p0 =	sne.s32 s29, $0x47E;
	s29 =	sadd.s32 $0x32, s29;
	_ =	swait.ge [sflag:s22], $0xC8  }
0x40: {  	[sflag:s22] =	ssyncset.done $0x0  }
0x41: {  	[sflag:s22] =	ssyncadd.s32 $0xFFFFFF38  }
0x42: {  	_ =	swait.ge [sflag:s23], $0x6400  }
0x43: {  	[sflag:s23] =	ssyncset.done $0x0  }
0x44: {  	[sflag:s23] =	ssyncadd.s32 $0xFFFF9C00  }
0x45: {  	[spmem:s3] =	stream.indirect.scatter.add.f32 [tilespmem:s19], [sflag:$0x5], $0x80, s17, s18, $0xb8;
	[tilespmem:$0x19180] =	vst v63  }
0x46: {  	_ =	swait.ge [sflag:s16], $0x6400  }
0x47: {  	s0 =	sshrl.u32 s31, $0x3;
	[sflag:s16] =	ssyncset.done $0x0  }
0x48: {  	s0 =	sadd.s32 s6, s0;
	[sflag:s16] =	ssyncadd.s32 $0xFFFF9C00  }
0x49: {  	[tilespmem:s17], [sflag:$0x3] =	stream.linear.gather [hbm4b:s0+s4], $0xC8, $0x38;
	[tilespmem:$0x19180] =	vst v63  }
0x4a: {  	s0 =	sadd.s32 $0xFFFFFF38, s30  }
0x4b: {  	[tilespmem:s19], [sflag:$0x1] =	stream.indirect.gather [hbm4b:s5+s18], $0x80, s0, s18, $0xb8;
	[tilespmem:$0x19180] =	vst v63  }
0x4c: {  	_ =	swait.ge [sflag:s24], $0xC8  }
0x4d: {  	[sflag:s24] =	ssyncset.done $0x0  }
0x4e: {  	[sflag:s24] =	ssyncadd.s32 $0xFFFFFF38  }
0x4f: {  	_ =	swait.ge [sflag:s25], $0x6400  }
0x50: {  	[sflag:s25] =	ssyncset.done $0x0  }
0x51: {  	[sflag:s25] =	ssyncadd.s32 $0xFFFF9C00  }
0x52: {  	[spmem:s3] =	stream.indirect.scatter.add.f32 [tilespmem:s21], [sflag:$0x5], $0x80, s20, s18, $0xb8;
	[tilespmem:$0x19180] =	vst v63  }
.Ltmp0:
0x53: {  	_ =	swait.ge [sflag:s16], $0x6400;
	(pc) =	sbr.rel @p0 .LBB2_2-.Ltmp0, $4  }
0x54: {  	[sflag:s16] =	ssyncset.done $0x0  }
0x55: {  	s0 =	sadd.s32 s1, s13;
	[sflag:s16] =	ssyncadd.s32 $0xFFFF9C00  }
0x56: {  	[tilespmem:s20], [sflag:$0x4] =	stream.linear.gather [hbm4b:s0+s4], $0xC8, $0x38;
	[tilespmem:$0x19180] =	vst v63  }
0x57: {  	s31 =	sadd.s32 $0x190, s31;
	s30 =	sadd.s32 $0x190, s30  }
0x58: {  	[tilespmem:s21], [sflag:$0x2] =	stream.indirect.gather [hbm4b:s5+s18], $0x80, s28, s18, $0xb8;
	[tilespmem:$0x19180] =	vst v63  }
0x59: {  	_ =	swait.ge [sflag:s22], $0xC8  }
0x5a: {  	[sflag:s22] =	ssyncset.done $0x0  }
0x5b: {  	[sflag:s22] =	ssyncadd.s32 $0xFFFFFF38  }
0x5c: {  	_ =	swait.ge [sflag:s23], $0x6400  }
0x5d: {  	[sflag:s23] =	ssyncset.done $0x0  }
0x5e: {  	[sflag:s23] =	ssyncadd.s32 $0xFFFF9C00  }
0x5f: {  	[spmem:s3] =	stream.indirect.scatter.add.f32 [tilespmem:s19], [sflag:$0x5], $0x80, s17, s18, $0xb8;
	[tilespmem:$0x19180] =	vst v63  }
0x60: {  	_ =	swait.ge [sflag:s16], $0x6400  }
0x61: {  	[sflag:s16] =	ssyncset.done $0x0  }
0x62: {  	[sflag:s16] =	ssyncadd.s32 $0xFFFF9C00  }
0x63: {  	_ =	swait.ge [sflag:s24], $0xC8  }
0x64: {  	[sflag:s24] =	ssyncset.done $0x0  }
0x65: {  	[sflag:s24] =	ssyncadd.s32 $0xFFFFFF38  }
0x66: {  	_ =	swait.ge [sflag:s25], $0x6400  }
0x67: {  	[sflag:s25] =	ssyncset.done $0x0  }
0x68: {  	[sflag:s25] =	ssyncadd.s32 $0xFFFF9C00  }
0x69: {  	[spmem:s3] =	stream.indirect.scatter.add.f32 [tilespmem:s21], [sflag:$0x5], $0x80, s20, s18, $0xb8;
	[tilespmem:$0x19180] =	vst v63  }
0x6a: {  	_ =	swait.ge [sflag:s16], $0x6400  }
0x6b: {  	s26 =	sadd.s32 $0x1, s26;
	[sflag:s16] =	ssyncset.done $0x0  }
0x6c: {  	p0 =	sne.s32 s26, s12;
	[sflag:s16] =	ssyncadd.s32 $0xFFFF9C00  }
.Ltmp1:
0x6d: {  	[bflag:$0x0] =	sbarrier.arrive $0xFFFF;
	(pc) =	sbr.rel @p0 .LBB2_1-.Ltmp1, $4  }
0x6e: {  	[hbm:s11], [sflag:s7] =	dma.local [spmem:s15], $0x1400  }
0x6f: {  	_ =	swait.ge [sflag:s16], $0x1400  }
0x70: {  	[sflag:s16] =	ssyncset.done $0x0  }
0x71: {  	[sflag:s16] =	ssyncadd.s32 $0xFFFFEC00  }
0x72: {  	_ =	sfence.sel $0x180000  }
0x73: {  	[bflag:$0x0] =	sbarrier.arrive $0xFFFF  }
0x74: {  	_ =	strace $0x9000004A  }
0x75: {  	s0 =	stileid.u32;
	[bflag:$0x2] =	sbarrier.arrive $0xFFFF  }
0x76: {  	p0 =	sne.s32 s0, $0x0;
	s0 =	rddreg [dreg:$0x3]  }
0x77: {  	s0 =	sadd.s32 @!p0 $0x100000, s0  }
0x78: {  	[sflag:s0] =	ssyncadd.tile.s32 @!p0 $0x1;
	_ =	shalt  }
.Lfunc_end2:
_tile_overlayer_lowered:
.L_overlay_start_2:
0x79: {  	(tag) =	ssettag $0x2  }
0x7a: {  	s0 =	rddreg [dreg:$0x0];
	s2 =	stileid.u32  }
0x7b: {  	s1 =	rddreg [dreg:$0x1];
	p0 =	sne.s32 s2, $0x0  }
0x7c: {  	s3 =	rddreg [dreg:$0x2];
	[bflag:$0x3] =	sbarrier.arrive $0xFFFF;
	s2 =	simm.s32 @!p0 $0x1C05  }
0x7d: {  	[timem:s3], [sflag:s2] =	dma.local @!p0 [hbm:s0], s1  }
0x7e: {  	s0 =	simm.s32 @!p0 $0x5  }
0x7f: {  	_ =	swait.ge @!p0 [sflag:s0], s1  }
0x80: {  	s1 =	ssub.s32 @!p0 $0x0, s1;
	[sflag:s0] =	ssyncset.done @!p0 $0x0  }
0x81: {  	[sflag:s0] =	ssyncadd.s32 @!p0 s1  }
0x82: {  	[bflag:$0x3] =	sbarrier.arrive $0xFFFF  }
0x83: {  	_ =	shalt  }

// kernel: kernel.15.cloned.1.call-start
scs
__scs_entry_jumppad:
0x0: {  	(pc) =	sbr.rel $0x88, $3  }
0x1: {  	(tag) =	ssettag $0x0;
	lr =	simm.s32 $0x1  }
0x2: {  	[smem:$0x3F94] =	sst lr;
	_ =	strace $0xD0000000  }
0x3: {  	_ = 	snop  }
0x4: {  	_ = 	snop  }
0x5: {  	_ = 	snop  }
0x6: {  	_ = 	snop  }
0x7: {  	_ = 	snop  }
__scs_overlays_trampoline_lowered:
0x8: {  	[smem:$0x3FA3] =	sst s0  }
0x9: {  	[smem:$0x3FA4] =	sst s1  }
0xa: {  	[smem:$0x3FA5] =	sst s2  }
0xb: {  	[smem:$0x3FA6] =	sst s3  }
0xc: {  	[smem:$0x3FA7] =	sst s4  }
0xd: {  	[smem:$0x3FA8] =	sst s5  }
0xe: {  	[smem:$0x3FA9] =	sst s6  }
0xf: {  	[smem:$0x3FAA] =	sst s7  }
0x10: {  	[smem:$0x3FAB] =	sst s8  }
0x11: {  	[smem:$0x3FAC] =	sst s9;
	s0 =	simm.s32 @!p0 $0x0  }
0x12: {  	s1 =	sld [smem:$0x3F92];
	s0 =	simm.s32 @p0 $0x1  }
0x13: {  	[smem:$0x3FAD] =	sst s0;
	s0 =	simm.s32 @!p1 $0x0  }
0x14: {  	s2 =	sld [smem:$0x3F91];
	s0 =	simm.s32 @p1 $0x1  }
0x15: {  	[smem:$0x3FAE] =	sst s0;
	s0 =	simm.s32 @!p2 $0x0  }
0x16: {  	s3 =	sld [smem:$0x3FDB];
	s0 =	simm.s32 @p2 $0x1  }
0x17: {  	s4 =	simm.s32 $0x1BF5;
	[smem:$0x3FB0] =	sst s0  }
0x18: {  	s0 =	sld [smem:$0x3F93];
	_ =	swait.ge [sflag:s4], $0x0  }
0x19: {  	s7 =	sld [smem:$0x3F94]  }
0x1a: {  	s8 =	sadd.s32 $0xFFFFE003, lr  }
0x1b: {  	s9 =	sadd.s32 $0xFFFFFEF7, lr;
	s5 =	simm.s32 $0xFFFFFFFF;
	p2 =	slt.u32 s8, $0xFFFFF086  }
0x1c: {  	p1 =	slt.u32 s9, $0xF7A;
	s5 =	simm.s32 @!p2 $0x0  }
0x1d: {  	s5 =	simm.s32 @p1 $0x1;
	p0 =	seq.s32 s7, s2  }
0x1e: {  	s7 =	smul.u32 @!p0 $0xF7A, s2;
	p2 =	seq.s32 @!p0 s5, $0x0  }
0x1f: {  	s9 =	smul.u32 $0xF7A, s1;
	s8 =	simm.s32 @!p0 $0x1BF5;
	p2 =	por !p2, p0  }
0x20: {  	[sflag:s8] =	ssyncset.s32 @!p0 $0xFFFFF086;
	s6 =	sadd.s32 @!p0 s3, s7;
	s7 =	simm.s32 @!p0 $0x108  }
0x21: {  	s3 =	sadd.s32 s3, s9;
	s6 =	sadd.s32 @!p0 $0x88, s6;
	s7 =	simm.s32 @p2 $0x1082  }
0x22: {  	[simem:s7], [sflag:s8] =	dma.local @!p0 [hbm:s6], $0xF7A  }
0x23: {  	s9 =	sor.u32 $0xD0000000, s2;
	s6 =	simm.s32 $0x108;
	_ =	swait.ge @!p0 [sflag:s8], $0x0  }
0x24: {  	s3 =	sadd.s32 $0x88, s3;
	s6 =	simm.s32 @!p1 $0x1082;
	[sflag:s4] =	ssyncset.s32 $0xFFFFF086  }
0x25: {  	[simem:s6], [sflag:s4] =	dma.local [hbm:s3], $0xF7A  }
0x26: {  	[smem:$0x3F94] =	sst s1;
	(tag) =	ssettag s2;
	_ =	strace s9  }
0x27: {  	s1 =	sld [smem:$0x3FA4]  }
0x28: {  	s2 =	sld [smem:$0x3FA5]  }
0x29: {  	s4 =	sld [smem:$0x3FA7]  }
0x2a: {  	p0 =	seq.s32 s5, $0x0;
	s5 =	sld [smem:$0x3FA8]  }
0x2b: {  	s6 =	sld [smem:$0x3FA9]  }
0x2c: {  	s7 =	sld [smem:$0x3FAA]  }
0x2d: {  	s3 =	simm.s32 $0x108;
	s8 =	sld [smem:$0x3FAB]  }
0x2e: {  	s3 =	simm.s32 @!p0 $0x1082;
	s9 =	sld [smem:$0x3FAC]  }
0x2f: {  	lr =	sadd.s32 s0, s3;
	s0 =	sld [smem:$0x3FA3]  }
0x30: {  	s3 =	sld [smem:$0x3FA6]  }
0x31: {  	[smem:$0x3FAF] =	sst s10  }
0x32: {  	s10 =	sld [smem:$0x3FAD];
	_ =	sdelay $0x3  }
0x33: {  	p0 =	seq.s32 s10, $0x1;
	s10 =	sld [smem:$0x3FAF];
	_ =	sdelay $0x3  }
0x34: {  	[smem:$0x3FAF] =	sst s10  }
0x35: {  	s10 =	sld [smem:$0x3FAE];
	_ =	sdelay $0x3  }
0x36: {  	p1 =	seq.s32 s10, $0x1;
	s10 =	sld [smem:$0x3FAF];
	_ =	sdelay $0x3  }
0x37: {  	[smem:$0x3FAF] =	sst s10  }
0x38: {  	s10 =	sld [smem:$0x3FB0]  }
0x39: {  	_ = 	snop;
	(pc) =	sbr.ind lr, $3  }
0x3a: {  	_ = 	snop  }
0x3b: {  	_ = 	snop  }
0x3c: {  	p2 =	seq.s32 s10, $0x1;
	s10 =	sld [smem:$0x3FAF]  }
0x3d: {  	_ =	shalt  }
0x3e: {  	_ =	shalt  }
0x3f: {  	_ =	shalt  }
0x40: {  	_ =	shalt  }
0x41: {  	_ =	shalt  }
0x42: {  	_ =	shalt  }
0x43: {  	_ =	shalt  }
0x44: {  	_ =	shalt  }
0x45: {  	_ =	shalt  }
0x46: {  	_ =	shalt  }
0x47: {  	_ =	shalt  }
0x48: {  	_ =	shalt  }
0x49: {  	_ =	shalt  }
0x4a: {  	_ =	shalt  }
0x4b: {  	_ =	shalt  }
0x4c: {  	_ =	shalt  }
0x4d: {  	_ =	shalt  }
0x4e: {  	_ =	shalt  }
0x4f: {  	_ =	shalt  }
0x50: {  	_ =	shalt  }
0x51: {  	_ =	shalt  }
0x52: {  	_ =	shalt  }
0x53: {  	_ =	shalt  }
0x54: {  	_ =	shalt  }
0x55: {  	_ =	shalt  }
0x56: {  	_ =	shalt  }
0x57: {  	_ =	shalt  }
0x58: {  	_ =	shalt  }
0x59: {  	_ =	shalt  }
0x5a: {  	_ =	shalt  }
0x5b: {  	_ =	shalt  }
0x5c: {  	_ =	shalt  }
0x5d: {  	_ =	shalt  }
0x5e: {  	_ =	shalt  }
0x5f: {  	_ =	shalt  }
0x60: {  	_ =	shalt  }
0x61: {  	_ =	shalt  }
0x62: {  	_ =	shalt  }
0x63: {  	_ =	shalt  }
0x64: {  	_ =	shalt  }
0x65: {  	_ =	shalt  }
0x66: {  	_ =	shalt  }
0x67: {  	_ =	shalt  }
0x68: {  	_ =	shalt  }
0x69: {  	_ =	shalt  }
0x6a: {  	_ =	shalt  }
0x6b: {  	_ =	shalt  }
0x6c: {  	_ =	shalt  }
0x6d: {  	_ =	shalt  }
0x6e: {  	_ =	shalt  }
0x6f: {  	_ =	shalt  }
0x70: {  	_ =	shalt  }
0x71: {  	_ =	shalt  }
0x72: {  	_ =	shalt  }
0x73: {  	_ =	shalt  }
0x74: {  	_ =	shalt  }
0x75: {  	_ =	shalt  }
0x76: {  	_ =	shalt  }
0x77: {  	_ =	shalt  }
0x78: {  	_ =	shalt  }
0x79: {  	_ =	shalt  }
0x7a: {  	_ =	shalt  }
0x7b: {  	_ =	shalt  }
0x7c: {  	_ =	shalt  }
0x7d: {  	_ =	shalt  }
0x7e: {  	_ =	shalt  }
0x7f: {  	_ =	shalt  }
0x80: {  	_ =	shalt  }
0x81: {  	_ =	shalt  }
0x82: {  	_ =	shalt  }
0x83: {  	_ =	shalt  }
0x84: {  	_ =	shalt  }
0x85: {  	_ =	shalt  }
0x86: {  	_ =	shalt  }
0x87: {  	_ =	shalt  }
.Lfunc_end0:
.L_simem_size_0:
called_computation.2_lowered:
.L_overlay_start_0:
0x88: {  	s2 =	sld [smem:$0x3FD9]  }
0x89: {  	s3 =	sld [smem:$0x3FFE];
	_ =	sdelay $0x1  }
0x8a: {  	s1 =	srdreg.scid  }
0x8b: {  	s0 =	sand.u32 $0x1, s1  }
0x8c: {  	s17 =	sshll.u32 s0, $0xA;
	s2 =	sadd.s32 s3, s2  }
0x8d: {  	s2 =	sadd.s32 s2, s17  }
0x8e: {  	[smem:$0x3FBB] =	sst s2  }
0x8f: {  	_ = 	snop  }
0x90: {  	s2 =	sld [smem:$0x3FD0];
	(tm) =	ssettm $0x1  }
0x91: {  	s18 =	sld [smem:$0x3FFB];
	_ =	sdelay $0x3  }
0x92: {  	_ =	strace s18  }
0x93: {  	s3 =	sld [smem:$0x3FFC];
	_ =	sdelay $0x3  }
0x94: {  	_ =	strace s3  }
0x95: {  	s3 =	sld [smem:$0x3FFD];
	_ =	sdelay $0x3  }
0x96: {  	_ =	strace s3  }
0x97: {  	_ =	strace $0x8FFFFFFF  }
0x98: {  	s19 =	sld [smem:$0x3FDB];
	_ =	sdelay $0x1  }
0x99: {  	s4 =	simm.s32 $_scs_section_size  }
0x9a: {  	s5 =	simm.s32 $_size__tile_overlayer_lowered;
	s6 =	simm.s32 $_tile_overlayer_lowered  }
0x9b: {  	s22 =	simm.s32 $0x1BFF;
	s21 =	sshll.u32 s6, $0x1;
	s3 =	sadd.s32 s4, s19  }
0x9c: {  	s7 =	simm.s32 $0x0;
	s20 =	sshll.u32 s5, $0x1;
	s5 =	sadd.s32 s21, s3  }
0x9d: {  	[timem:s7], [sflag:s22] =	dma.local [hbm:s5], s20  }
0x9e: {  	_ =	swait.ge [sflag:s22], s20  }
0x9f: {  	s4 =	ssub.s32 $0x0, s20;
	[sflag:s22] =	ssyncset.done $0x0  }
0xa0: {  	[sflag:s22] =	ssyncadd.s32 s4;
	_ =	sdelay $0x1  }
0xa1: {  	s23 =	simm.s32 $0x1B8B  }
0xa2: {  	_ =	swait.ge [sflag:s23], $0x1  }
0xa3: {  	[sflag:s23] =	ssyncset.done $0x0  }
0xa4: {  	s25 =	simm.s32 $0x1B8E;
	s24 =	sld [smem:$0x3FFE];
	[sflag:s23] =	ssyncadd.s32 $0xFFFFFFFF  }
0xa5: {  	s26 =	simm.s32 $execute0_lowered;
	[smem:$0x3FD2] =	sst s25  }
0xa6: {  	s5 =	sshll.u32 s26, $0x1;
	_ =	strace $0x8000004C;
	[dreg:$0x1] =	wrdreg $0xFFFFFFFF  }
0xa7: {  	s28 =	simm.s32 $_size_execute0_lowered;
	s3 =	sadd.s32 s3, s5;
	[dreg:$0x0] =	wrdreg $0x0  }
0xa8: {  	s5 =	sshll.u32 s28, $0x1;
	[dreg:$0x2] =	wrdreg s3  }
0xa9: {  	[dreg:$0x3] =	wrdreg s5  }
0xaa: {  	[dreg:$0x4] =	wrdreg $0xC0  }
0xab: {  	_ =	task [dreg:s7], $0x5FFFF  }
0xac: {  	[dreg:$0x1] =	wrdreg $0xFFFFFFFF  }
0xad: {  	[dreg:$0x0] =	wrdreg $0x60  }
0xae: {  	[dreg:$0x2] =	wrdreg s24  }
0xaf: {  	[dreg:$0x3] =	wrdreg s2  }
0xb0: {  	[dreg:$0x4] =	wrdreg $0xF1800  }
0xb1: {  	[dreg:$0x5] =	wrdreg $0x9  }
0xb2: {  	_ =	task.clear_ibuf [dreg:s7], $0x6FFFF;
	_ =	strace $0x9000004C  }
0xb3: {  	s29 =	simm.s32 $0x9;
	_ =	strace $0x8000004E  }
0xb4: {  	_ =	swait.ge [sflag:s29], $0x1  }
0xb5: {  	[sflag:s29] =	ssyncadd.s32 $0xFFFFFFFF  }
0xb6: {  	_ =	strace $0x9000004E  }
0xb7: {  	_ =	sfence  }
0xb8: {  	s30 =	sld [smem:$0x0];
	_ =	sdelay $0x2  }
0xb9: {  	s31 =	sshll.u32 s1, $0xD;
	s1 =	sshrl.u32 s1, $0x2  }
0xba: {  	s3 =	sand.u32 $0x4000, s31;
	s1 =	sadd.s32 s1, s30  }
0xbb: {  	s0 =	sor.u32 s3, s0;
	s1 =	sshll.u32 s1, $0x11  }
0xbc: {  	s0 =	sor.u32 s1, s0  }
0xbd: {  	s0 =	sadd.s32 $0x8F2B, s0  }
0xbe: {  	[sflag:s0] =	ssyncadd.remote.s32 $0x1  }
0xbf: {  	_ =	sfence.sel $0xFFFF  }
0xc0: {  	[dreg:$0x0] =	wrdreg $0xFFFFFFFF;
	(pc) =	sbr.abs _section_cstart, $3  }
0xc1: {  	[dreg:$0x1] =	wrdreg $0xFFFFFFFF  }
0xc2: {  	_ =	task.clear_ibuf [dreg:s7], $0x2FFFF;
	_ =	strace $0x9FFFFFFF  }
0xc3: {  	(tm) =	ssettm $0x7FFFFFFF  }
tec
execute0_lowered:
.L_overlay_start_1:
0x0: {  	(tag) =	ssettag $0x1  }
0x1: {  	s0 =	srdreg.scid;
	s8 =	rddreg [dreg:$0x0]  }
0x2: {  	s20 =	stileid.u32;
	s2 =	rddreg [dreg:$0x1]  }
0x3: {  	s3 =	rddreg [dreg:$0x2];
	s4 =	simm.s32 $0x0;
	s19 =	simm.s32 $0x2980  }
0x4: {  	s7 =	sand.u32 $0x1, s0;
	[smem:$0x7FF] =	sst s4;
	s11 =	smul.u32 $0xA000, s20  }
0x5: {  	s5 =	sadd.s32 $0x17600, s8;
	s6 =	sadd.s32 $0xD800, s8;
	s14 =	smul.u32 $0x28000, s20  }
0x6: {  	s25 =	sshll.u32 s20, $0x6;
	s16 =	smul.u32 $0x2710, s20;
	s1 =	sshll.u32 s7, $0x4  }
0x7: {  	s10 =	smul.u32 $0xA0000, s7;
	_ =	strace $0x8000004D;
	s21 =	ssub.s32 $0x2, s7  }
0x8: {  	s23 =	smul.u32 $0x27100, s7;
	s7 =	sor.u32 $0x1C05, s25;
	s25 =	simm.s32 $0x2  }
0x9: {  	s1 =	sor.u32 s20, s1;
	s22 =	sshrl.u32 s21, $0x1;
	s24 =	sshrl.u32 s14, $0x2  }
0xa: {  	s20 =	simm.s32 $0x2880;
	s9 =	smul.u32 $0x2710, s1;
	s10 =	sadd.s32 s11, s10  }
0xb: {  	s17 =	ssub.s32 s21, s22;
	s18 =	sadd.s32 s24, s3;
	s28 =	sadd.s32 s16, s23  }
0xc: {  	s16 =	simm.s32 $0x5;
	s21 =	simm.s32 $0x8D80;
	s22 =	simm.s32 $0x3  }
0xd: {  	s23 =	simm.s32 $0x1;
	s24 =	simm.s32 $0x4;
	s10 =	sshrl.u32 s10, $0x3  }
0xe: {  	s30 =	sadd.s32 $0x258, s28;
	s14 =	sadd.s32 $0x190, s28;
	s12 =	sshrl.u32 s9, $0x3  }
0xf: {  	s15 =	sadd.s32 s10, s8;
	s26 =	sadd.s32 $0xC8, s9;
	s31 =	sshrl.u32 s30, $0x3  }
0x10: {  	s13 =	sadd.s32 s12, s8;
	s9 =	sadd.s32 s6, s12;
	s29 =	sshrl.u32 s26, $0x3  }
0x11: {  	s11 =	sadd.s32 $0x3F600, s15;
	s12 =	smax.u32 s17, $0x1;
	s15 =	sshrl.u32 s18, $0x3  }
0x12: {  	s17 =	simm.s32 $0x2780;
	s18 =	simm.s32 $0xC8;
	s26 =	simm.s32 $0x0  }
0x13: {  	s8 =	sadd.s32 $0x3A00, s13;
	s10 =	sadd.s32 s6, s29;
	s13 =	sadd.s32 s31, s6  }
.LBB2_1:
0x14: {  	[spmem:s15], [sflag:s7] =	dma.local [hbm:s2], $0x1400  }
0x15: {  	_ =	swait.ge [sflag:s16], $0x1400  }
0x16: {  	[sflag:s16] =	ssyncset.done $0x0  }
0x17: {  	[sflag:s16] =	ssyncadd.s32 $0xFFFFEC00  }
0x18: {  	[tilespmem:s4], [sflag:$0x5] =	stream.linear.gather [hbm4b:s8+s4], $0x2710, $0x38;
	[tilespmem:$0x19180] =	vst v63  }
0x19: {  	_ =	swait.ge [sflag:s16], $0x2710  }
0x1a: {  	[sflag:s16] =	ssyncset.done $0x0  }
0x1b: {  	[sflag:s16] =	ssyncadd.s32 $0xFFFFD8F0  }
0x1c: {  	[bflag:$0x0] =	sbarrier.arrive $0xFFFF  }
0x1d: {  	[tilespmem:s17], [sflag:$0x3] =	stream.linear.gather [hbm4b:s9+s4], $0xC8, $0x38;
	[tilespmem:$0x19180] =	vst v63  }
0x1e: {  	_ = 	snop  }
0x1f: {  	[tilespmem:s19], [sflag:$0x1] =	stream.indirect.gather [hbm4b:s5+s18], $0x80, s4, s18, $0xb8;
	[tilespmem:$0x19180] =	vst v63  }
0x20: {  	_ = 	snop  }
0x21: {  	[tilespmem:s20], [sflag:$0x4] =	stream.linear.gather [hbm4b:s10+s4], $0xC8, $0x38;
	[tilespmem:$0x19180] =	vst v63  }
0x22: {  	_ = 	snop  }
0x23: {  	[tilespmem:s21], [sflag:$0x2] =	stream.indirect.gather [hbm4b:s5+s18], $0x80, s18, s18, $0xb8;
	[tilespmem:$0x19180] =	vst v63  }
0x24: {  	_ =	swait.ge [sflag:s22], $0xC8  }
0x25: {  	[sflag:s22] =	ssyncset.done $0x0  }
0x26: {  	[sflag:s22] =	ssyncadd.s32 $0xFFFFFF38  }
0x27: {  	_ =	swait.ge [sflag:s23], $0x6400  }
0x28: {  	[sflag:s23] =	ssyncset.done $0x0  }
0x29: {  	[sflag:s23] =	ssyncadd.s32 $0xFFFF9C00  }
0x2a: {  	[spmem:s3] =	stream.indirect.scatter.add.f32 [tilespmem:s19], [sflag:$0x5], $0x80, s17, s18, $0xb8;
	[tilespmem:$0x19180] =	vst v63  }
0x2b: {  	_ =	swait.ge [sflag:s16], $0x6400  }
0x2c: {  	s28 =	sshrl.u32 s14, $0x3;
	[sflag:s16] =	ssyncset.done $0x0  }
0x2d: {  	s28 =	sadd.s32 s6, s28;
	[sflag:s16] =	ssyncadd.s32 $0xFFFF9C00  }
0x2e: {  	[tilespmem:s17], [sflag:$0x3] =	stream.linear.gather [hbm4b:s28+s4], $0xC8, $0x38;
	[tilespmem:$0x19180] =	vst v63  }
0x2f: {  	s28 =	simm.s32 $0x190  }
0x30: {  	[tilespmem:s19], [sflag:$0x1] =	stream.indirect.gather [hbm4b:s5+s18], $0x80, s28, s18, $0xb8;
	[tilespmem:$0x19180] =	vst v63  }
0x31: {  	_ =	swait.ge [sflag:s24], $0xC8  }
0x32: {  	[sflag:s24] =	ssyncset.done $0x0  }
0x33: {  	[sflag:s24] =	ssyncadd.s32 $0xFFFFFF38  }
0x34: {  	_ =	swait.ge [sflag:s25], $0x6400  }
0x35: {  	[sflag:s25] =	ssyncset.done $0x0  }
0x36: {  	[sflag:s25] =	ssyncadd.s32 $0xFFFF9C00  }
0x37: {  	[spmem:s3] =	stream.indirect.scatter.add.f32 [tilespmem:s21], [sflag:$0x5], $0x80, s20, s18, $0xb8;
	[tilespmem:$0x19180] =	vst v63  }
0x38: {  	_ =	swait.ge [sflag:s16], $0x6400  }
0x39: {  	[sflag:s16] =	ssyncset.done $0x0  }
0x3a: {  	s29 =	simm.s32 $0x32;
	s28 =	sadd.s32 $0x0, s13;
	[sflag:s16] =	ssyncadd.s32 $0xFFFF9C00  }
0x3b: {  	[tilespmem:s20], [sflag:$0x4] =	stream.linear.gather [hbm4b:s28+s4], $0xC8, $0x38;
	[tilespmem:$0x19180] =	vst v63  }
0x3c: {  	s30 =	simm.s32 $0x3E8;
	s31 =	sadd.s32 $0x190, s14;
	s28 =	simm.s32 $0x258  }
.LBB2_2:
0x3d: {  	[tilespmem:s21], [sflag:$0x2] =	stream.indirect.gather [hbm4b:s5+s18], $0x80, s28, s18, $0xb8;
	[tilespmem:$0x19180] =	vst v63  }
0x3e: {  	s1 =	smov.u32 s29;
	s28 =	smov.u32 s30  }
0x3f: {  	p0 =	sne.s32 s29, $0x47E;
	s29 =	sadd.s32 $0x32, s29;
	_ =	swait.ge [sflag:s22], $0xC8  }
0x40: {  	[sflag:s22] =	ssyncset.done $0x0  }
0x41: {  	[sflag:s22] =	ssyncadd.s32 $0xFFFFFF38  }
0x42: {  	_ =	swait.ge [sflag:s23], $0x6400  }
0x43: {  	[sflag:s23] =	ssyncset.done $0x0  }
0x44: {  	[sflag:s23] =	ssyncadd.s32 $0xFFFF9C00  }
0x45: {  	[spmem:s3] =	stream.indirect.scatter.add.f32 [tilespmem:s19], [sflag:$0x5], $0x80, s17, s18, $0xb8;
	[tilespmem:$0x19180] =	vst v63  }
0x46: {  	_ =	swait.ge [sflag:s16], $0x6400  }
0x47: {  	s0 =	sshrl.u32 s31, $0x3;
	[sflag:s16] =	ssyncset.done $0x0  }
0x48: {  	s0 =	sadd.s32 s6, s0;
	[sflag:s16] =	ssyncadd.s32 $0xFFFF9C00  }
0x49: {  	[tilespmem:s17], [sflag:$0x3] =	stream.linear.gather [hbm4b:s0+s4], $0xC8, $0x38;
	[tilespmem:$0x19180] =	vst v63  }
0x4a: {  	s0 =	sadd.s32 $0xFFFFFF38, s30  }
0x4b: {  	[tilespmem:s19], [sflag:$0x1] =	stream.indirect.gather [hbm4b:s5+s18], $0x80, s0, s18, $0xb8;
	[tilespmem:$0x19180] =	vst v63  }
0x4c: {  	_ =	swait.ge [sflag:s24], $0xC8  }
0x4d: {  	[sflag:s24] =	ssyncset.done $0x0  }
0x4e: {  	[sflag:s24] =	ssyncadd.s32 $0xFFFFFF38  }
0x4f: {  	_ =	swait.ge [sflag:s25], $0x6400  }
0x50: {  	[sflag:s25] =	ssyncset.done $0x0  }
0x51: {  	[sflag:s25] =	ssyncadd.s32 $0xFFFF9C00  }
0x52: {  	[spmem:s3] =	stream.indirect.scatter.add.f32 [tilespmem:s21], [sflag:$0x5], $0x80, s20, s18, $0xb8;
	[tilespmem:$0x19180] =	vst v63  }
.Ltmp0:
0x53: {  	_ =	swait.ge [sflag:s16], $0x6400;
	(pc) =	sbr.rel @p0 .LBB2_2-.Ltmp0, $4  }
0x54: {  	[sflag:s16] =	ssyncset.done $0x0  }
0x55: {  	s0 =	sadd.s32 s1, s13;
	[sflag:s16] =	ssyncadd.s32 $0xFFFF9C00  }
0x56: {  	[tilespmem:s20], [sflag:$0x4] =	stream.linear.gather [hbm4b:s0+s4], $0xC8, $0x38;
	[tilespmem:$0x19180] =	vst v63  }
0x57: {  	s31 =	sadd.s32 $0x190, s31;
	s30 =	sadd.s32 $0x190, s30  }
0x58: {  	[tilespmem:s21], [sflag:$0x2] =	stream.indirect.gather [hbm4b:s5+s18], $0x80, s28, s18, $0xb8;
	[tilespmem:$0x19180] =	vst v63  }
0x59: {  	_ =	swait.ge [sflag:s22], $0xC8  }
0x5a: {  	[sflag:s22] =	ssyncset.done $0x0  }
0x5b: {  	[sflag:s22] =	ssyncadd.s32 $0xFFFFFF38  }
0x5c: {  	_ =	swait.ge [sflag:s23], $0x6400  }
0x5d: {  	[sflag:s23] =	ssyncset.done $0x0  }
0x5e: {  	[sflag:s23] =	ssyncadd.s32 $0xFFFF9C00  }
0x5f: {  	[spmem:s3] =	stream.indirect.scatter.add.f32 [tilespmem:s19], [sflag:$0x5], $0x80, s17, s18, $0xb8;
	[tilespmem:$0x19180] =	vst v63  }
0x60: {  	_ =	swait.ge [sflag:s16], $0x6400  }
0x61: {  	[sflag:s16] =	ssyncset.done $0x0  }
0x62: {  	[sflag:s16] =	ssyncadd.s32 $0xFFFF9C00  }
0x63: {  	_ =	swait.ge [sflag:s24], $0xC8  }
0x64: {  	[sflag:s24] =	ssyncset.done $0x0  }
0x65: {  	[sflag:s24] =	ssyncadd.s32 $0xFFFFFF38  }
0x66: {  	_ =	swait.ge [sflag:s25], $0x6400  }
0x67: {  	[sflag:s25] =	ssyncset.done $0x0  }
0x68: {  	[sflag:s25] =	ssyncadd.s32 $0xFFFF9C00  }
0x69: {  	[spmem:s3] =	stream.indirect.scatter.add.f32 [tilespmem:s21], [sflag:$0x5], $0x80, s20, s18, $0xb8;
	[tilespmem:$0x19180] =	vst v63  }
0x6a: {  	_ =	swait.ge [sflag:s16], $0x6400  }
0x6b: {  	s26 =	sadd.s32 $0x1, s26;
	[sflag:s16] =	ssyncset.done $0x0  }
0x6c: {  	p0 =	sne.s32 s26, s12;
	[sflag:s16] =	ssyncadd.s32 $0xFFFF9C00  }
.Ltmp1:
0x6d: {  	[bflag:$0x0] =	sbarrier.arrive $0xFFFF;
	(pc) =	sbr.rel @p0 .LBB2_1-.Ltmp1, $4  }
0x6e: {  	[hbm:s11], [sflag:s7] =	dma.local [spmem:s15], $0x1400  }
0x6f: {  	_ =	swait.ge [sflag:s16], $0x1400  }
0x70: {  	[sflag:s16] =	ssyncset.done $0x0  }
0x71: {  	[sflag:s16] =	ssyncadd.s32 $0xFFFFEC00  }
0x72: {  	_ =	sfence.sel $0x180000  }
0x73: {  	[bflag:$0x0] =	sbarrier.arrive $0xFFFF  }
0x74: {  	_ =	strace $0x9000004D  }
0x75: {  	s0 =	stileid.u32;
	[bflag:$0x2] =	sbarrier.arrive $0xFFFF  }
0x76: {  	p0 =	sne.s32 s0, $0x0;
	s0 =	rddreg [dreg:$0x3]  }
0x77: {  	s0 =	sadd.s32 @!p0 $0x100000, s0  }
0x78: {  	[sflag:s0] =	ssyncadd.tile.s32 @!p0 $0x1;
	_ =	shalt  }
.Lfunc_end2:
_tile_overlayer_lowered:
.L_overlay_start_2:
0x79: {  	(tag) =	ssettag $0x2  }
0x7a: {  	s0 =	rddreg [dreg:$0x0];
	s2 =	stileid.u32  }
0x7b: {  	s1 =	rddreg [dreg:$0x1];
	p0 =	sne.s32 s2, $0x0  }
0x7c: {  	s3 =	rddreg [dreg:$0x2];
	[bflag:$0x3] =	sbarrier.arrive $0xFFFF;
	s2 =	simm.s32 @!p0 $0x1C05  }
0x7d: {  	[timem:s3], [sflag:s2] =	dma.local @!p0 [hbm:s0], s1  }
0x7e: {  	s0 =	simm.s32 @!p0 $0x5  }
0x7f: {  	_ =	swait.ge @!p0 [sflag:s0], s1  }
0x80: {  	s1 =	ssub.s32 @!p0 $0x0, s1;
	[sflag:s0] =	ssyncset.done @!p0 $0x0  }
0x81: {  	[sflag:s0] =	ssyncadd.s32 @!p0 s1  }
0x82: {  	[bflag:$0x3] =	sbarrier.arrive $0xFFFF  }
0x83: {  	_ =	shalt  }

// kernel: kernel.18.cloned.1.call-start
scs
__scs_entry_jumppad:
0x0: {  	(pc) =	sbr.rel $0x88, $3  }
0x1: {  	(tag) =	ssettag $0x0;
	lr =	simm.s32 $0x1  }
0x2: {  	[smem:$0x3F94] =	sst lr;
	_ =	strace $0xD0000000  }
0x3: {  	_ = 	snop  }
0x4: {  	_ = 	snop  }
0x5: {  	_ = 	snop  }
0x6: {  	_ = 	snop  }
0x7: {  	_ = 	snop  }
__scs_overlays_trampoline_lowered:
0x8: {  	[smem:$0x3FA3] =	sst s0  }
0x9: {  	[smem:$0x3FA4] =	sst s1  }
0xa: {  	[smem:$0x3FA5] =	sst s2  }
0xb: {  	[smem:$0x3FA6] =	sst s3  }
0xc: {  	[smem:$0x3FA7] =	sst s4  }
0xd: {  	[smem:$0x3FA8] =	sst s5  }
0xe: {  	[smem:$0x3FA9] =	sst s6  }
0xf: {  	[smem:$0x3FAA] =	sst s7  }
0x10: {  	[smem:$0x3FAB] =	sst s8  }
0x11: {  	[smem:$0x3FAC] =	sst s9;
	s0 =	simm.s32 @!p0 $0x0  }
0x12: {  	s1 =	sld [smem:$0x3F92];
	s0 =	simm.s32 @p0 $0x1  }
0x13: {  	[smem:$0x3FAD] =	sst s0;
	s0 =	simm.s32 @!p1 $0x0  }
0x14: {  	s2 =	sld [smem:$0x3F91];
	s0 =	simm.s32 @p1 $0x1  }
0x15: {  	[smem:$0x3FAE] =	sst s0;
	s0 =	simm.s32 @!p2 $0x0  }
0x16: {  	s3 =	sld [smem:$0x3FDB];
	s0 =	simm.s32 @p2 $0x1  }
0x17: {  	s4 =	simm.s32 $0x1BF5;
	[smem:$0x3FB0] =	sst s0  }
0x18: {  	s0 =	sld [smem:$0x3F93];
	_ =	swait.ge [sflag:s4], $0x0  }
0x19: {  	s7 =	sld [smem:$0x3F94]  }
0x1a: {  	s8 =	sadd.s32 $0xFFFFE003, lr  }
0x1b: {  	s9 =	sadd.s32 $0xFFFFFEF7, lr;
	s5 =	simm.s32 $0xFFFFFFFF;
	p2 =	slt.u32 s8, $0xFFFFF086  }
0x1c: {  	p1 =	slt.u32 s9, $0xF7A;
	s5 =	simm.s32 @!p2 $0x0  }
0x1d: {  	s5 =	simm.s32 @p1 $0x1;
	p0 =	seq.s32 s7, s2  }
0x1e: {  	s7 =	smul.u32 @!p0 $0xF7A, s2;
	p2 =	seq.s32 @!p0 s5, $0x0  }
0x1f: {  	s9 =	smul.u32 $0xF7A, s1;
	s8 =	simm.s32 @!p0 $0x1BF5;
	p2 =	por !p2, p0  }
0x20: {  	[sflag:s8] =	ssyncset.s32 @!p0 $0xFFFFF086;
	s6 =	sadd.s32 @!p0 s3, s7;
	s7 =	simm.s32 @!p0 $0x108  }
0x21: {  	s3 =	sadd.s32 s3, s9;
	s6 =	sadd.s32 @!p0 $0x88, s6;
	s7 =	simm.s32 @p2 $0x1082  }
0x22: {  	[simem:s7], [sflag:s8] =	dma.local @!p0 [hbm:s6], $0xF7A  }
0x23: {  	s9 =	sor.u32 $0xD0000000, s2;
	s6 =	simm.s32 $0x108;
	_ =	swait.ge @!p0 [sflag:s8], $0x0  }
0x24: {  	s3 =	sadd.s32 $0x88, s3;
	s6 =	simm.s32 @!p1 $0x1082;
	[sflag:s4] =	ssyncset.s32 $0xFFFFF086  }
0x25: {  	[simem:s6], [sflag:s4] =	dma.local [hbm:s3], $0xF7A  }
0x26: {  	[smem:$0x3F94] =	sst s1;
	(tag) =	ssettag s2;
	_ =	strace s9  }
0x27: {  	s1 =	sld [smem:$0x3FA4]  }
0x28: {  	s2 =	sld [smem:$0x3FA5]  }
0x29: {  	s4 =	sld [smem:$0x3FA7]  }
0x2a: {  	p0 =	seq.s32 s5, $0x0;
	s5 =	sld [smem:$0x3FA8]  }
0x2b: {  	s6 =	sld [smem:$0x3FA9]  }
0x2c: {  	s7 =	sld [smem:$0x3FAA]  }
0x2d: {  	s3 =	simm.s32 $0x108;
	s8 =	sld [smem:$0x3FAB]  }
0x2e: {  	s3 =	simm.s32 @!p0 $0x1082;
	s9 =	sld [smem:$0x3FAC]  }
0x2f: {  	lr =	sadd.s32 s0, s3;
	s0 =	sld [smem:$0x3FA3]  }
0x30: {  	s3 =	sld [smem:$0x3FA6]  }
0x31: {  	[smem:$0x3FAF] =	sst s10  }
0x32: {  	s10 =	sld [smem:$0x3FAD];
	_ =	sdelay $0x3  }
0x33: {  	p0 =	seq.s32 s10, $0x1;
	s10 =	sld [smem:$0x3FAF];
	_ =	sdelay $0x3  }
0x34: {  	[smem:$0x3FAF] =	sst s10  }
0x35: {  	s10 =	sld [smem:$0x3FAE];
	_ =	sdelay $0x3  }
0x36: {  	p1 =	seq.s32 s10, $0x1;
	s10 =	sld [smem:$0x3FAF];
	_ =	sdelay $0x3  }
0x37: {  	[smem:$0x3FAF] =	sst s10  }
0x38: {  	s10 =	sld [smem:$0x3FB0]  }
0x39: {  	_ = 	snop;
	(pc) =	sbr.ind lr, $3  }
0x3a: {  	_ = 	snop  }
0x3b: {  	_ = 	snop  }
0x3c: {  	p2 =	seq.s32 s10, $0x1;
	s10 =	sld [smem:$0x3FAF]  }
0x3d: {  	_ =	shalt  }
0x3e: {  	_ =	shalt  }
0x3f: {  	_ =	shalt  }
0x40: {  	_ =	shalt  }
0x41: {  	_ =	shalt  }
0x42: {  	_ =	shalt  }
0x43: {  	_ =	shalt  }
0x44: {  	_ =	shalt  }
0x45: {  	_ =	shalt  }
0x46: {  	_ =	shalt  }
0x47: {  	_ =	shalt  }
0x48: {  	_ =	shalt  }
0x49: {  	_ =	shalt  }
0x4a: {  	_ =	shalt  }
0x4b: {  	_ =	shalt  }
0x4c: {  	_ =	shalt  }
0x4d: {  	_ =	shalt  }
0x4e: {  	_ =	shalt  }
0x4f: {  	_ =	shalt  }
0x50: {  	_ =	shalt  }
0x51: {  	_ =	shalt  }
0x52: {  	_ =	shalt  }
0x53: {  	_ =	shalt  }
0x54: {  	_ =	shalt  }
0x55: {  	_ =	shalt  }
0x56: {  	_ =	shalt  }
0x57: {  	_ =	shalt  }
0x58: {  	_ =	shalt  }
0x59: {  	_ =	shalt  }
0x5a: {  	_ =	shalt  }
0x5b: {  	_ =	shalt  }
0x5c: {  	_ =	shalt  }
0x5d: {  	_ =	shalt  }
0x5e: {  	_ =	shalt  }
0x5f: {  	_ =	shalt  }
0x60: {  	_ =	shalt  }
0x61: {  	_ =	shalt  }
0x62: {  	_ =	shalt  }
0x63: {  	_ =	shalt  }
0x64: {  	_ =	shalt  }
0x65: {  	_ =	shalt  }
0x66: {  	_ =	shalt  }
0x67: {  	_ =	shalt  }
0x68: {  	_ =	shalt  }
0x69: {  	_ =	shalt  }
0x6a: {  	_ =	shalt  }
0x6b: {  	_ =	shalt  }
0x6c: {  	_ =	shalt  }
0x6d: {  	_ =	shalt  }
0x6e: {  	_ =	shalt  }
0x6f: {  	_ =	shalt  }
0x70: {  	_ =	shalt  }
0x71: {  	_ =	shalt  }
0x72: {  	_ =	shalt  }
0x73: {  	_ =	shalt  }
0x74: {  	_ =	shalt  }
0x75: {  	_ =	shalt  }
0x76: {  	_ =	shalt  }
0x77: {  	_ =	shalt  }
0x78: {  	_ =	shalt  }
0x79: {  	_ =	shalt  }
0x7a: {  	_ =	shalt  }
0x7b: {  	_ =	shalt  }
0x7c: {  	_ =	shalt  }
0x7d: {  	_ =	shalt  }
0x7e: {  	_ =	shalt  }
0x7f: {  	_ =	shalt  }
0x80: {  	_ =	shalt  }
0x81: {  	_ =	shalt  }
0x82: {  	_ =	shalt  }
0x83: {  	_ =	shalt  }
0x84: {  	_ =	shalt  }
0x85: {  	_ =	shalt  }
0x86: {  	_ =	shalt  }
0x87: {  	_ =	shalt  }
.Lfunc_end0:
.L_simem_size_0:
called_computation.3_lowered:
.L_overlay_start_0:
0x88: {  	s2 =	sld [smem:$0x3FD9]  }
0x89: {  	s3 =	sld [smem:$0x3FFE];
	_ =	sdelay $0x1  }
0x8a: {  	s1 =	srdreg.scid  }
0x8b: {  	s0 =	sand.u32 $0x1, s1  }
0x8c: {  	s17 =	sshll.u32 s0, $0xA;
	s2 =	sadd.s32 s3, s2  }
0x8d: {  	s2 =	sadd.s32 s2, s17  }
0x8e: {  	[smem:$0x3FBB] =	sst s2  }
0x8f: {  	_ = 	snop  }
0x90: {  	s2 =	sld [smem:$0x3FD0];
	(tm) =	ssettm $0x1  }
0x91: {  	s18 =	sld [smem:$0x3FFB];
	_ =	sdelay $0x3  }
0x92: {  	_ =	strace s18  }
0x93: {  	s3 =	sld [smem:$0x3FFC];
	_ =	sdelay $0x3  }
0x94: {  	_ =	strace s3  }
0x95: {  	s3 =	sld [smem:$0x3FFD];
	_ =	sdelay $0x3  }
0x96: {  	_ =	strace s3  }
0x97: {  	_ =	strace $0x8FFFFFFF  }
0x98: {  	s19 =	sld [smem:$0x3FDB];
	_ =	sdelay $0x1  }
0x99: {  	s4 =	simm.s32 $_scs_section_size  }
0x9a: {  	s5 =	simm.s32 $_size__tile_overlayer_lowered;
	s6 =	simm.s32 $_tile_overlayer_lowered  }
0x9b: {  	s22 =	simm.s32 $0x1BFF;
	s21 =	sshll.u32 s6, $0x1;
	s3 =	sadd.s32 s4, s19  }
0x9c: {  	s7 =	simm.s32 $0x0;
	s20 =	sshll.u32 s5, $0x1;
	s5 =	sadd.s32 s21, s3  }
0x9d: {  	[timem:s7], [sflag:s22] =	dma.local [hbm:s5], s20  }
0x9e: {  	_ =	swait.ge [sflag:s22], s20  }
0x9f: {  	s4 =	ssub.s32 $0x0, s20;
	[sflag:s22] =	ssyncset.done $0x0  }
0xa0: {  	[sflag:s22] =	ssyncadd.s32 s4;
	_ =	sdelay $0x1  }
0xa1: {  	s23 =	simm.s32 $0x1B8B  }
0xa2: {  	_ =	swait.ge [sflag:s23], $0x1  }
0xa3: {  	[sflag:s23] =	ssyncset.done $0x0  }
0xa4: {  	s25 =	simm.s32 $0x1B8E;
	s24 =	sld [smem:$0x3FFE];
	[sflag:s23] =	ssyncadd.s32 $0xFFFFFFFF  }
0xa5: {  	s26 =	simm.s32 $execute0_lowered;
	[smem:$0x3FD2] =	sst s25  }
0xa6: {  	s5 =	sshll.u32 s26, $0x1;
	_ =	strace $0x8000004F;
	[dreg:$0x1] =	wrdreg $0xFFFFFFFF  }
0xa7: {  	s28 =	simm.s32 $_size_execute0_lowered;
	s3 =	sadd.s32 s3, s5;
	[dreg:$0x0] =	wrdreg $0x0  }
0xa8: {  	s5 =	sshll.u32 s28, $0x1;
	[dreg:$0x2] =	wrdreg s3  }
0xa9: {  	[dreg:$0x3] =	wrdreg s5  }
0xaa: {  	[dreg:$0x4] =	wrdreg $0xC0  }
0xab: {  	_ =	task [dreg:s7], $0x5FFFF  }
0xac: {  	[dreg:$0x1] =	wrdreg $0xFFFFFFFF  }
0xad: {  	[dreg:$0x0] =	wrdreg $0x60  }
0xae: {  	[dreg:$0x2] =	wrdreg s24  }
0xaf: {  	[dreg:$0x3] =	wrdreg s2  }
0xb0: {  	[dreg:$0x4] =	wrdreg $0x9  }
0xb1: {  	_ =	task.clear_ibuf [dreg:s7], $0x5FFFF;
	_ =	strace $0x9000004F  }
0xb2: {  	s29 =	simm.s32 $0x9;
	_ =	strace $0x80000051  }
0xb3: {  	_ =	swait.ge [sflag:s29], $0x1  }
0xb4: {  	[sflag:s29] =	ssyncadd.s32 $0xFFFFFFFF  }
0xb5: {  	_ =	strace $0x90000051  }
0xb6: {  	_ =	sfence  }
0xb7: {  	s30 =	sld [smem:$0x0];
	_ =	sdelay $0x2  }
0xb8: {  	s31 =	sshll.u32 s1, $0xD;
	s1 =	sshrl.u32 s1, $0x2  }
0xb9: {  	s3 =	sand.u32 $0x4000, s31;
	s1 =	sadd.s32 s1, s30  }
0xba: {  	s0 =	sor.u32 s3, s0;
	s1 =	sshll.u32 s1, $0x11  }
0xbb: {  	s0 =	sor.u32 s1, s0  }
0xbc: {  	s0 =	sadd.s32 $0x8F2B, s0  }
0xbd: {  	[sflag:s0] =	ssyncadd.remote.s32 $0x1  }
0xbe: {  	_ =	sfence.sel $0xFFFF  }
0xbf: {  	[dreg:$0x0] =	wrdreg $0xFFFFFFFF;
	(pc) =	sbr.abs _section_cstart, $3  }
0xc0: {  	[dreg:$0x1] =	wrdreg $0xFFFFFFFF  }
0xc1: {  	_ =	task.clear_ibuf [dreg:s7], $0x2FFFF;
	_ =	strace $0x9FFFFFFF  }
0xc2: {  	(tm) =	ssettm $0x7FFFFFFF  }
0xc3: {  	_ =	shalt  }
tec
execute0_lowered:
.L_overlay_start_1:
0x0: {  	(tag) =	ssettag $0x1  }
0x1: {  	s4 =	rddreg [dreg:$0x0]  }
0x2: {  	s1 =	rddreg [dreg:$0x1];
	s3 =	srdreg.scid  }
0x3: {  	s0 =	rddreg [dreg:$0x2];
	s2 =	simm.s32 $0x0;
	s10 =	simm.s32 $0xA000  }
0x4: {  	s11 =	simm.s32 $0x2;
	s12 =	simm.s32 $0xA200;
	s13 =	simm.s32 $0xA400  }
.Ltmp0:
0x5: {  	s14 =	simm.s32 $0x0;
	s7 =	sand.u32 $0x1, s3;
	(pc) =	sbr.rel .LBB2_1-.Ltmp0, $4  }
0x6: {  	[smem:$0x7FF] =	sst s2;
	s3 =	sadd.s32 $0x17600, s4;
	s8 =	ssub.s32 $0x2, s7  }
0x7: {  	s5 =	sadd.s32 $0x3A00, s4;
	s6 =	sadd.s32 $0xD800, s4;
	s9 =	sshrl.u32 s8, $0x1  }
0x8: {  	s4 =	stileid.u32;
	_ =	strace $0x80000050;
	s8 =	ssub.s32 s8, s9  }
0x9: {  	s7 =	sshll.u32 s7, $0x4;
	s9 =	simm.s32 $0x1;
	s8 =	smax.u32 s8, $0x1  }
.LBB2_7:
0xa: {  	s14 =	sadd.s32 $0x1, s14  }
0xb: {  	p0 =	sne.s32 s14, s8  }
.Ltmp1:
0xc: {  	_ = 	snop;
	(pc) =	sbr.rel @!p0 .LBB2_8-.Ltmp1, $1  }
0xd: {  	_ =	sdelay $0x3  }
.LBB2_1:
.Ltmp2:
0xe: {  	(pc) =	sbr.rel .LBB2_2-.Ltmp2, $4  }
0xf: {  	[tilespmem:s2], [sflag:$0x1] =	stream.linear.gather [hbm4b:s3+s2], $0xA000, $0x38;
	[tilespmem:$0xA800] =	vst v63  }
0x10: {  	_ =	swait.ge [sflag:s9], $0xA000  }
0x11: {  	[sflag:s9] =	ssyncset.done $0x0  }
0x12: {  	s15 =	simm.s32 $0x0;
	[sflag:s9] =	ssyncadd.s32 $0xFFFF6000  }
.LBB2_6:
0x13: {  	s15 =	sadd.s32 $0x1, s15  }
0x14: {  	p0 =	sne.s32 s15, $0x14  }
.Ltmp3:
0x15: {  	_ = 	snop;
	(pc) =	sbr.rel @!p0 .LBB2_7-.Ltmp3, $1  }
0x16: {  	_ =	sdelay $0x3  }
.LBB2_2:
0x17: {  	s16 =	sshll.u32 s15, $0x5  }
0x18: {  	s16 =	sor.u32 s16, s7  }
0x19: {  	s16 =	sor.u32 s4, s16  }
0x1a: {  	p0 =	sgt.u32 s16, $0x270  }
.Ltmp4:
0x1b: {  	_ = 	snop;
	(pc) =	sbr.rel @p0 .LBB2_6-.Ltmp4, $1  }
0x1c: {  	_ =	sdelay $0x3  }
0x1d: {  	s18 =	sshll.u32 s16, $0x6  }
0x1e: {  	s17 =	simm.s32 $0x0;
	s19 =	sadd.s32 s5, s18  }
0x1f: {  	[tilespmem:s10], [sflag:$0x2] =	stream.linear.gather [hbm4b:s19+s17], $0x200, $0x38;
	[tilespmem:$0xA800] =	vst v63  }
0x20: {  	_ =	swait.ge [sflag:s11], $0x200  }
0x21: {  	[sflag:s11] =	ssyncset.done $0x0  }
0x22: {  	s18 =	sadd.s32 s6, s18;
	[sflag:s11] =	ssyncadd.s32 $0xFFFFFE00  }
0x23: {  	[tilespmem:s12], [sflag:$0x2] =	stream.linear.gather [hbm4b:s18+s17], $0x200, $0x38;
	[tilespmem:$0xA800] =	vst v63  }
0x24: {  	_ =	swait.ge [sflag:s11], $0x200  }
0x25: {  	[sflag:s11] =	ssyncset.done $0x0  }
0x26: {  	s18 =	simm.s32 $0xA480;
	[sflag:s11] =	ssyncadd.s32 $0xFFFFFE00  }
.LBB2_4:
0x27: {  	s19 =	sshra.s32 s17, $0x2  }
0x28: {  	v0 =	vld [tilespmem:s19+$0xA200]  }
0x29: {  	v1 =	vld [tilespmem:s19+$0xA000];
	_ =	sdelay $0x3  }
0x2a: {  	v2 =	vadd.s32 $0x6400, v0  }
0x2b: {  	v3 =	vadd.s32 $0x2800, v1  }
0x2c: {  	v0 =	vadd.s32 $0x8C00, v0;
	_ =	sdelay $0x1  }
0x2d: {  	v1 =	vld.idx.msk [tilespmem:v1+s2+$0x0], $0xffff  }
0x2e: {  	v2 =	vld.idx.msk [tilespmem:v2+s2+$0x0], $0xffff  }
0x2f: {  	v3 =	vld.idx.msk [tilespmem:v3+s2+$0x0], $0xffff  }
0x30: {  	v0 =	vld.idx.msk [tilespmem:v0+s2+$0x0], $0xffff;
	_ =	sdelay $0x3  }
0x31: {  	v1 =	vadd.f32 v2, v1  }
0x32: {  	v0 =	vadd.f32 v0, v3  }
0x33: {  	[tilespmem:s18+$0xFFFFFF80] =	vst v1  }
0x34: {  	[tilespmem:s18+$0x0] =	vst v0  }
0x35: {  	v0 =	vld [tilespmem:s19+$0xA210]  }
0x36: {  	v1 =	vld [tilespmem:s19+$0xA010];
	_ =	sdelay $0x3  }
0x37: {  	v50 =	vadd.s32 $0x6400, v0  }
0x38: {  	v51 =	vadd.s32 $0x2800, v1  }
0x39: {  	v0 =	vadd.s32 $0x8C00, v0;
	_ =	sdelay $0x1  }
0x3a: {  	v1 =	vld.idx.msk [tilespmem:v1+s2+$0x0], $0xffff  }
0x3b: {  	v2 =	vld.idx.msk [tilespmem:v50+s2+$0x0], $0xffff  }
0x3c: {  	v3 =	vld.idx.msk [tilespmem:v51+s2+$0x0], $0xffff  }
0x3d: {  	v0 =	vld.idx.msk [tilespmem:v0+s2+$0x0], $0xffff;
	_ =	sdelay $0x3  }
0x3e: {  	v1 =	vadd.f32 v2, v1  }
0x3f: {  	v0 =	vadd.f32 v0, v3  }
0x40: {  	[tilespmem:s18+$0xFFFFFF90] =	vst v1  }
0x41: {  	[tilespmem:s18+$0x10] =	vst v0  }
0x42: {  	v0 =	vld [tilespmem:s19+$0xA220]  }
0x43: {  	v1 =	vld [tilespmem:s19+$0xA020];
	_ =	sdelay $0x3  }
0x44: {  	v52 =	vadd.s32 $0x6400, v0  }
0x45: {  	v53 =	vadd.s32 $0x2800, v1  }
0x46: {  	v0 =	vadd.s32 $0x8C00, v0;
	_ =	sdelay $0x1  }
0x47: {  	v1 =	vld.idx.msk [tilespmem:v1+s2+$0x0], $0xffff  }
0x48: {  	v2 =	vld.idx.msk [tilespmem:v52+s2+$0x0], $0xffff  }
0x49: {  	v3 =	vld.idx.msk [tilespmem:v53+s2+$0x0], $0xffff  }
0x4a: {  	v0 =	vld.idx.msk [tilespmem:v0+s2+$0x0], $0xffff;
	_ =	sdelay $0x3  }
0x4b: {  	v1 =	vadd.f32 v2, v1  }
0x4c: {  	v0 =	vadd.f32 v0, v3  }
0x4d: {  	[tilespmem:s18+$0xFFFFFFA0] =	vst v1  }
0x4e: {  	[tilespmem:s18+$0x20] =	vst v0  }
0x4f: {  	v0 =	vld [tilespmem:s19+$0xA230]  }
0x50: {  	v1 =	vld [tilespmem:s19+$0xA030];
	_ =	sdelay $0x3  }
0x51: {  	v54 =	vadd.s32 $0x6400, v0  }
0x52: {  	v55 =	vadd.s32 $0x2800, v1  }
0x53: {  	v0 =	vadd.s32 $0x8C00, v0;
	_ =	sdelay $0x1  }
0x54: {  	v1 =	vld.idx.msk [tilespmem:v1+s2+$0x0], $0xffff  }
0x55: {  	v2 =	vld.idx.msk [tilespmem:v54+s2+$0x0], $0xffff  }
0x56: {  	v3 =	vld.idx.msk [tilespmem:v55+s2+$0x0], $0xffff  }
0x57: {  	v0 =	vld.idx.msk [tilespmem:v0+s2+$0x0], $0xffff;
	_ =	sdelay $0x3  }
0x58: {  	v1 =	vadd.f32 v2, v1  }
0x59: {  	v0 =	vadd.f32 v0, v3  }
0x5a: {  	[tilespmem:s18+$0xFFFFFFB0] =	vst v1  }
0x5b: {  	[tilespmem:s18+$0x30] =	vst v0  }
0x5c: {  	v0 =	vld [tilespmem:s19+$0xA240]  }
0x5d: {  	v1 =	vld [tilespmem:s19+$0xA040];
	_ =	sdelay $0x3  }
0x5e: {  	v56 =	vadd.s32 $0x6400, v0  }
0x5f: {  	v57 =	vadd.s32 $0x2800, v1  }
0x60: {  	v0 =	vadd.s32 $0x8C00, v0;
	_ =	sdelay $0x1  }
0x61: {  	v1 =	vld.idx.msk [tilespmem:v1+s2+$0x0], $0xffff  }
0x62: {  	v2 =	vld.idx.msk [tilespmem:v56+s2+$0x0], $0xffff  }
0x63: {  	v3 =	vld.idx.msk [tilespmem:v57+s2+$0x0], $0xffff  }
0x64: {  	v0 =	vld.idx.msk [tilespmem:v0+s2+$0x0], $0xffff;
	_ =	sdelay $0x3  }
0x65: {  	v1 =	vadd.f32 v2, v1  }
0x66: {  	v0 =	vadd.f32 v0, v3  }
0x67: {  	[tilespmem:s18+$0xFFFFFFC0] =	vst v1  }
0x68: {  	[tilespmem:s18+$0x40] =	vst v0  }
0x69: {  	v0 =	vld [tilespmem:s19+$0xA250]  }
0x6a: {  	v1 =	vld [tilespmem:s19+$0xA050];
	_ =	sdelay $0x3  }
0x6b: {  	v58 =	vadd.s32 $0x6400, v0  }
0x6c: {  	v59 =	vadd.s32 $0x2800, v1  }
0x6d: {  	v0 =	vadd.s32 $0x8C00, v0;
	_ =	sdelay $0x1  }
0x6e: {  	v1 =	vld.idx.msk [tilespmem:v1+s2+$0x0], $0xffff  }
0x6f: {  	v2 =	vld.idx.msk [tilespmem:v58+s2+$0x0], $0xffff  }
0x70: {  	v3 =	vld.idx.msk [tilespmem:v59+s2+$0x0], $0xffff  }
0x71: {  	v0 =	vld.idx.msk [tilespmem:v0+s2+$0x0], $0xffff;
	_ =	sdelay $0x3  }
0x72: {  	v1 =	vadd.f32 v2, v1  }
0x73: {  	v0 =	vadd.f32 v0, v3  }
0x74: {  	[tilespmem:s18+$0xFFFFFFD0] =	vst v1  }
0x75: {  	[tilespmem:s18+$0x50] =	vst v0  }
0x76: {  	v0 =	vld [tilespmem:s19+$0xA260]  }
0x77: {  	v1 =	vld [tilespmem:s19+$0xA060];
	_ =	sdelay $0x3  }
0x78: {  	v60 =	vadd.s32 $0x6400, v0  }
0x79: {  	v61 =	vadd.s32 $0x2800, v1  }
0x7a: {  	v0 =	vadd.s32 $0x8C00, v0;
	_ =	sdelay $0x1  }
0x7b: {  	v1 =	vld.idx.msk [tilespmem:v1+s2+$0x0], $0xffff  }
0x7c: {  	v2 =	vld.idx.msk [tilespmem:v60+s2+$0x0], $0xffff  }
0x7d: {  	v3 =	vld.idx.msk [tilespmem:v61+s2+$0x0], $0xffff  }
0x7e: {  	v0 =	vld.idx.msk [tilespmem:v0+s2+$0x0], $0xffff;
	_ =	sdelay $0x3  }
0x7f: {  	v1 =	vadd.f32 v2, v1  }
0x80: {  	v0 =	vadd.f32 v0, v3  }
0x81: {  	[tilespmem:s18+$0xFFFFFFE0] =	vst v1  }
0x82: {  	[tilespmem:s18+$0x60] =	vst v0  }
0x83: {  	v0 =	vld [tilespmem:s19+$0xA270]  }
0x84: {  	v1 =	vld [tilespmem:s19+$0xA070];
	_ =	sdelay $0x3  }
0x85: {  	v62 =	vadd.s32 $0x6400, v0  }
0x86: {  	v63 =	vadd.s32 $0x2800, v1  }
0x87: {  	v0 =	vadd.s32 $0x8C00, v0;
	_ =	sdelay $0x1  }
0x88: {  	v1 =	vld.idx.msk [tilespmem:v1+s2+$0x0], $0xffff  }
0x89: {  	v2 =	vld.idx.msk [tilespmem:v62+s2+$0x0], $0xffff  }
0x8a: {  	v3 =	vld.idx.msk [tilespmem:v63+s2+$0x0], $0xffff  }
0x8b: {  	v0 =	vld.idx.msk [tilespmem:v0+s2+$0x0], $0xffff;
	_ =	sdelay $0x1  }
0x8c: {  	p0 =	sne.s32 s17, $0x600  }
.Ltmp5:
0x8d: {  	_ = 	snop;
	(pc) =	sbr.rel @p0 .LBB2_4-.Ltmp5, $4  }
0x8e: {  	v1 =	vadd.f32 v2, v1  }
0x8f: {  	v0 =	vadd.f32 v0, v3  }
0x90: {  	[tilespmem:s18+$0xFFFFFFF0] =	vst v1  }
0x91: {  	s17 =	sadd.s32 $0x200, s17;
	[tilespmem:s18+$0x70] =	vst v0;
	s18 =	sadd.s32 $0x100, s18  }
0x92: {  	s16 =	sshll.u32 s16, $0x7  }
.Ltmp6:
0x93: {  	s16 =	sadd.s32 s1, s16;
	(pc) =	sbr.rel .LBB2_6-.Ltmp6, $4  }
0x94: {  	[hbm4b:s16+s2] =	stream.linear.scatter [tilespmem:s13], [sflag:$0x1], $0x400, $0x38;
	[tilespmem:$0xA800] =	vst v63  }
0x95: {  	_ =	swait.ge [sflag:s9], $0x400  }
0x96: {  	[sflag:s9] =	ssyncset.done $0x0  }
0x97: {  	[sflag:s9] =	ssyncadd.s32 $0xFFFFFC00  }
.LBB2_8:
0x98: {  	_ =	sfence.sel $0x180000  }
0x99: {  	[bflag:$0x0] =	sbarrier.arrive $0xFFFF  }
0x9a: {  	p0 =	sne.s32 s4, $0x0;
	_ =	strace $0x90000050  }
0x9b: {  	s0 =	sadd.s32 @!p0 $0x100000, s0;
	[bflag:$0x2] =	sbarrier.arrive $0xFFFF  }
0x9c: {  	[sflag:s0] =	ssyncadd.tile.s32 @!p0 $0x1;
	_ =	shalt  }
.Lfunc_end2:
_tile_overlayer_lowered:
.L_overlay_start_2:
0x9d: {  	(tag) =	ssettag $0x2  }
0x9e: {  	s0 =	rddreg [dreg:$0x0];
	s2 =	stileid.u32  }
0x9f: {  	s1 =	rddreg [dreg:$0x1];
	p0 =	sne.s32 s2, $0x0  }
0xa0: {  	s3 =	rddreg [dreg:$0x2];
	[bflag:$0x3] =	sbarrier.arrive $0xFFFF;
	s2 =	simm.s32 @!p0 $0x1C01  }
0xa1: {  	[timem:s3], [sflag:s2] =	dma.local @!p0 [hbm:s0], s1  }
0xa2: {  	s0 =	simm.s32 @!p0 $0x1  }
0xa3: {  	_ =	swait.ge @!p0 [sflag:s0], s1  }
0xa4: {  	s1 =	ssub.s32 @!p0 $0x0, s1;
	[sflag:s0] =	ssyncset.done @!p0 $0x0  }
0xa5: {  	[sflag:s0] =	ssyncadd.s32 @!p0 s1  }
0xa6: {  	[bflag:$0x3] =	sbarrier.arrive $0xFFFF  }
0xa7: {  	_ =	shalt  }

// kernel: kernel.9.cloned.1.call-start
scs
__scs_entry_jumppad:
0x0: {  	(pc) =	sbr.rel $0x88, $3  }
0x1: {  	(tag) =	ssettag $0x0;
	lr =	simm.s32 $0x1  }
0x2: {  	[smem:$0x3F94] =	sst lr;
	_ =	strace $0xD0000000  }
0x3: {  	_ = 	snop  }
0x4: {  	_ = 	snop  }
0x5: {  	_ = 	snop  }
0x6: {  	_ = 	snop  }
0x7: {  	_ = 	snop  }
__scs_overlays_trampoline_lowered:
0x8: {  	[smem:$0x3FA3] =	sst s0  }
0x9: {  	[smem:$0x3FA4] =	sst s1  }
0xa: {  	[smem:$0x3FA5] =	sst s2  }
0xb: {  	[smem:$0x3FA6] =	sst s3  }
0xc: {  	[smem:$0x3FA7] =	sst s4  }
0xd: {  	[smem:$0x3FA8] =	sst s5  }
0xe: {  	[smem:$0x3FA9] =	sst s6  }
0xf: {  	[smem:$0x3FAA] =	sst s7  }
0x10: {  	[smem:$0x3FAB] =	sst s8  }
0x11: {  	[smem:$0x3FAC] =	sst s9;
	s0 =	simm.s32 @!p0 $0x0  }
0x12: {  	s1 =	sld [smem:$0x3F92];
	s0 =	simm.s32 @p0 $0x1  }
0x13: {  	[smem:$0x3FAD] =	sst s0;
	s0 =	simm.s32 @!p1 $0x0  }
0x14: {  	s2 =	sld [smem:$0x3F91];
	s0 =	simm.s32 @p1 $0x1  }
0x15: {  	[smem:$0x3FAE] =	sst s0;
	s0 =	simm.s32 @!p2 $0x0  }
0x16: {  	s3 =	sld [smem:$0x3FDB];
	s0 =	simm.s32 @p2 $0x1  }
0x17: {  	s4 =	simm.s32 $0x1BF5;
	[smem:$0x3FB0] =	sst s0  }
0x18: {  	s0 =	sld [smem:$0x3F93];
	_ =	swait.ge [sflag:s4], $0x0  }
0x19: {  	s7 =	sld [smem:$0x3F94]  }
0x1a: {  	s8 =	sadd.s32 $0xFFFFE003, lr  }
0x1b: {  	s9 =	sadd.s32 $0xFFFFFEF7, lr;
	s5 =	simm.s32 $0xFFFFFFFF;
	p2 =	slt.u32 s8, $0xFFFFF086  }
0x1c: {  	p1 =	slt.u32 s9, $0xF7A;
	s5 =	simm.s32 @!p2 $0x0  }
0x1d: {  	s5 =	simm.s32 @p1 $0x1;
	p0 =	seq.s32 s7, s2  }
0x1e: {  	s7 =	smul.u32 @!p0 $0xF7A, s2;
	p2 =	seq.s32 @!p0 s5, $0x0  }
0x1f: {  	s9 =	smul.u32 $0xF7A, s1;
	s8 =	simm.s32 @!p0 $0x1BF5;
	p2 =	por !p2, p0  }
0x20: {  	[sflag:s8] =	ssyncset.s32 @!p0 $0xFFFFF086;
	s6 =	sadd.s32 @!p0 s3, s7;
	s7 =	simm.s32 @!p0 $0x108  }
0x21: {  	s3 =	sadd.s32 s3, s9;
	s6 =	sadd.s32 @!p0 $0x88, s6;
	s7 =	simm.s32 @p2 $0x1082  }
0x22: {  	[simem:s7], [sflag:s8] =	dma.local @!p0 [hbm:s6], $0xF7A  }
0x23: {  	s9 =	sor.u32 $0xD0000000, s2;
	s6 =	simm.s32 $0x108;
	_ =	swait.ge @!p0 [sflag:s8], $0x0  }
0x24: {  	s3 =	sadd.s32 $0x88, s3;
	s6 =	simm.s32 @!p1 $0x1082;
	[sflag:s4] =	ssyncset.s32 $0xFFFFF086  }
0x25: {  	[simem:s6], [sflag:s4] =	dma.local [hbm:s3], $0xF7A  }
0x26: {  	[smem:$0x3F94] =	sst s1;
	(tag) =	ssettag s2;
	_ =	strace s9  }
0x27: {  	s1 =	sld [smem:$0x3FA4]  }
0x28: {  	s2 =	sld [smem:$0x3FA5]  }
0x29: {  	s4 =	sld [smem:$0x3FA7]  }
0x2a: {  	p0 =	seq.s32 s5, $0x0;
	s5 =	sld [smem:$0x3FA8]  }
0x2b: {  	s6 =	sld [smem:$0x3FA9]  }
0x2c: {  	s7 =	sld [smem:$0x3FAA]  }
0x2d: {  	s3 =	simm.s32 $0x108;
	s8 =	sld [smem:$0x3FAB]  }
0x2e: {  	s3 =	simm.s32 @!p0 $0x1082;
	s9 =	sld [smem:$0x3FAC]  }
0x2f: {  	lr =	sadd.s32 s0, s3;
	s0 =	sld [smem:$0x3FA3]  }
0x30: {  	s3 =	sld [smem:$0x3FA6]  }
0x31: {  	[smem:$0x3FAF] =	sst s10  }
0x32: {  	s10 =	sld [smem:$0x3FAD];
	_ =	sdelay $0x3  }
0x33: {  	p0 =	seq.s32 s10, $0x1;
	s10 =	sld [smem:$0x3FAF];
	_ =	sdelay $0x3  }
0x34: {  	[smem:$0x3FAF] =	sst s10  }
0x35: {  	s10 =	sld [smem:$0x3FAE];
	_ =	sdelay $0x3  }
0x36: {  	p1 =	seq.s32 s10, $0x1;
	s10 =	sld [smem:$0x3FAF];
	_ =	sdelay $0x3  }
0x37: {  	[smem:$0x3FAF] =	sst s10  }
0x38: {  	s10 =	sld [smem:$0x3FB0]  }
0x39: {  	_ = 	snop;
	(pc) =	sbr.ind lr, $3  }
0x3a: {  	_ = 	snop  }
0x3b: {  	_ = 	snop  }
0x3c: {  	p2 =	seq.s32 s10, $0x1;
	s10 =	sld [smem:$0x3FAF]  }
0x3d: {  	_ =	shalt  }
0x3e: {  	_ =	shalt  }
0x3f: {  	_ =	shalt  }
0x40: {  	_ =	shalt  }
0x41: {  	_ =	shalt  }
0x42: {  	_ =	shalt  }
0x43: {  	_ =	shalt  }
0x44: {  	_ =	shalt  }
0x45: {  	_ =	shalt  }
0x46: {  	_ =	shalt  }
0x47: {  	_ =	shalt  }
0x48: {  	_ =	shalt  }
0x49: {  	_ =	shalt  }
0x4a: {  	_ =	shalt  }
0x4b: {  	_ =	shalt  }
0x4c: {  	_ =	shalt  }
0x4d: {  	_ =	shalt  }
0x4e: {  	_ =	shalt  }
0x4f: {  	_ =	shalt  }
0x50: {  	_ =	shalt  }
0x51: {  	_ =	shalt  }
0x52: {  	_ =	shalt  }
0x53: {  	_ =	shalt  }
0x54: {  	_ =	shalt  }
0x55: {  	_ =	shalt  }
0x56: {  	_ =	shalt  }
0x57: {  	_ =	shalt  }
0x58: {  	_ =	shalt  }
0x59: {  	_ =	shalt  }
0x5a: {  	_ =	shalt  }
0x5b: {  	_ =	shalt  }
0x5c: {  	_ =	shalt  }
0x5d: {  	_ =	shalt  }
0x5e: {  	_ =	shalt  }
0x5f: {  	_ =	shalt  }
0x60: {  	_ =	shalt  }
0x61: {  	_ =	shalt  }
0x62: {  	_ =	shalt  }
0x63: {  	_ =	shalt  }
0x64: {  	_ =	shalt  }
0x65: {  	_ =	shalt  }
0x66: {  	_ =	shalt  }
0x67: {  	_ =	shalt  }
0x68: {  	_ =	shalt  }
0x69: {  	_ =	shalt  }
0x6a: {  	_ =	shalt  }
0x6b: {  	_ =	shalt  }
0x6c: {  	_ =	shalt  }
0x6d: {  	_ =	shalt  }
0x6e: {  	_ =	shalt  }
0x6f: {  	_ =	shalt  }
0x70: {  	_ =	shalt  }
0x71: {  	_ =	shalt  }
0x72: {  	_ =	shalt  }
0x73: {  	_ =	shalt  }
0x74: {  	_ =	shalt  }
0x75: {  	_ =	shalt  }
0x76: {  	_ =	shalt  }
0x77: {  	_ =	shalt  }
0x78: {  	_ =	shalt  }
0x79: {  	_ =	shalt  }
0x7a: {  	_ =	shalt  }
0x7b: {  	_ =	shalt  }
0x7c: {  	_ =	shalt  }
0x7d: {  	_ =	shalt  }
0x7e: {  	_ =	shalt  }
0x7f: {  	_ =	shalt  }
0x80: {  	_ =	shalt  }
0x81: {  	_ =	shalt  }
0x82: {  	_ =	shalt  }
0x83: {  	_ =	shalt  }
0x84: {  	_ =	shalt  }
0x85: {  	_ =	shalt  }
0x86: {  	_ =	shalt  }
0x87: {  	_ =	shalt  }
.Lfunc_end0:
.L_simem_size_0:
called_computation_lowered:
.L_overlay_start_0:
0x88: {  	s2 =	sld [smem:$0x3FD9]  }
0x89: {  	s3 =	sld [smem:$0x3FFE];
	_ =	sdelay $0x1  }
0x8a: {  	s1 =	srdreg.scid  }
0x8b: {  	s0 =	sand.u32 $0x1, s1  }
0x8c: {  	s17 =	sshll.u32 s0, $0xA;
	s2 =	sadd.s32 s3, s2  }
0x8d: {  	s2 =	sadd.s32 s2, s17  }
0x8e: {  	[smem:$0x3FBB] =	sst s2  }
0x8f: {  	_ = 	snop  }
0x90: {  	s2 =	sld [smem:$0x3FD0];
	(tm) =	ssettm $0x1  }
0x91: {  	s18 =	sld [smem:$0x3FFB];
	_ =	sdelay $0x3  }
0x92: {  	_ =	strace s18  }
0x93: {  	s3 =	sld [smem:$0x3FFC];
	_ =	sdelay $0x3  }
0x94: {  	_ =	strace s3  }
0x95: {  	s3 =	sld [smem:$0x3FFD];
	_ =	sdelay $0x3  }
0x96: {  	_ =	strace s3  }
0x97: {  	_ =	strace $0x8FFFFFFF  }
0x98: {  	s19 =	sld [smem:$0x3FDB];
	_ =	sdelay $0x1  }
0x99: {  	s4 =	simm.s32 $_scs_section_size  }
0x9a: {  	s5 =	simm.s32 $_size__tile_overlayer_lowered;
	s6 =	simm.s32 $_tile_overlayer_lowered  }
0x9b: {  	s22 =	simm.s32 $0x1BFF;
	s21 =	sshll.u32 s6, $0x1;
	s3 =	sadd.s32 s4, s19  }
0x9c: {  	s7 =	simm.s32 $0x0;
	s20 =	sshll.u32 s5, $0x1;
	s5 =	sadd.s32 s21, s3  }
0x9d: {  	[timem:s7], [sflag:s22] =	dma.local [hbm:s5], s20  }
0x9e: {  	_ =	swait.ge [sflag:s22], s20  }
0x9f: {  	s4 =	ssub.s32 $0x0, s20;
	[sflag:s22] =	ssyncset.done $0x0  }
0xa0: {  	[sflag:s22] =	ssyncadd.s32 s4;
	_ =	sdelay $0x1  }
0xa1: {  	s23 =	simm.s32 $0x1B8B  }
0xa2: {  	_ =	swait.ge [sflag:s23], $0x1  }
0xa3: {  	[sflag:s23] =	ssyncset.done $0x0  }
0xa4: {  	s25 =	simm.s32 $0x1B8E;
	s24 =	sld [smem:$0x3FFE];
	[sflag:s23] =	ssyncadd.s32 $0xFFFFFFFF  }
0xa5: {  	s26 =	simm.s32 $execute0_lowered;
	[smem:$0x3FD2] =	sst s25  }
0xa6: {  	s5 =	sshll.u32 s26, $0x1;
	_ =	strace $0x80000046;
	[dreg:$0x1] =	wrdreg $0xFFFFFFFF  }
0xa7: {  	s28 =	simm.s32 $_size_execute0_lowered;
	s3 =	sadd.s32 s3, s5;
	[dreg:$0x0] =	wrdreg $0x0  }
0xa8: {  	s5 =	sshll.u32 s28, $0x1;
	[dreg:$0x2] =	wrdreg s3  }
0xa9: {  	[dreg:$0x3] =	wrdreg s5  }
0xaa: {  	[dreg:$0x4] =	wrdreg $0xC0  }
0xab: {  	_ =	task [dreg:s7], $0x5FFFF  }
0xac: {  	[dreg:$0x1] =	wrdreg $0xFFFFFFFF  }
0xad: {  	[dreg:$0x0] =	wrdreg $0x60  }
0xae: {  	[dreg:$0x2] =	wrdreg s24  }
0xaf: {  	[dreg:$0x3] =	wrdreg s2  }
0xb0: {  	[dreg:$0x4] =	wrdreg $0x9  }
0xb1: {  	_ =	task.clear_ibuf [dreg:s7], $0x5FFFF;
	_ =	strace $0x90000046  }
0xb2: {  	s29 =	simm.s32 $0x9;
	_ =	strace $0x80000048  }
0xb3: {  	_ =	swait.ge [sflag:s29], $0x1  }
0xb4: {  	[sflag:s29] =	ssyncadd.s32 $0xFFFFFFFF  }
0xb5: {  	_ =	strace $0x90000048  }
0xb6: {  	_ =	sfence  }
0xb7: {  	s30 =	sld [smem:$0x0];
	_ =	sdelay $0x2  }
0xb8: {  	s31 =	sshll.u32 s1, $0xD;
	s1 =	sshrl.u32 s1, $0x2  }
0xb9: {  	s3 =	sand.u32 $0x4000, s31;
	s1 =	sadd.s32 s1, s30  }
0xba: {  	s0 =	sor.u32 s3, s0;
	s1 =	sshll.u32 s1, $0x11  }
0xbb: {  	s0 =	sor.u32 s1, s0  }
0xbc: {  	s0 =	sadd.s32 $0x8F2B, s0  }
0xbd: {  	[sflag:s0] =	ssyncadd.remote.s32 $0x1  }
0xbe: {  	_ =	sfence.sel $0xFFFF  }
0xbf: {  	[dreg:$0x0] =	wrdreg $0xFFFFFFFF;
	(pc) =	sbr.abs _section_cstart, $3  }
0xc0: {  	[dreg:$0x1] =	wrdreg $0xFFFFFFFF  }
0xc1: {  	_ =	task.clear_ibuf [dreg:s7], $0x2FFFF;
	_ =	strace $0x9FFFFFFF  }
0xc2: {  	(tm) =	ssettm $0x7FFFFFFF  }
0xc3: {  	_ =	shalt  }
tec
execute0_lowered:
.L_overlay_start_1:
0x0: {  	(tag) =	ssettag $0x1  }
0x1: {  	s3 =	rddreg [dreg:$0x0]  }
0x2: {  	s0 =	srdreg.scid;
	s5 =	rddreg [dreg:$0x1]  }
0x3: {  	s1 =	stileid.u32;
	s10 =	simm.s32 $0x0;
	s4 =	sand.u32 $0x1, s0  }
0x4: {  	s0 =	rddreg [dreg:$0x2];
	s8 =	smul.u32 $0x2710, s1;
	s2 =	sshll.u32 s4, $0x4  }
0x5: {  	s9 =	sshll.u32 s1, $0x7;
	s6 =	smul.u32 $0x27100, s4;
	s7 =	sor.u32 s1, s2  }
0x6: {  	s4 =	ssub.s32 $0x2, s4;
	s9 =	sand.u32 $0x380, s9;
	s7 =	sshrl.u32 s7, $0x3  }
0x7: {  	s2 =	simm.s32 $0x0;
	s31 =	sshrl.u32 s4, $0x1;
	s7 =	smul.u32 $0xA000, s7  }
0x8: {  	[smem:$0x7FF] =	sst s2;
	s6 =	sadd.s32 s8, s6;
	s4 =	ssub.s32 s4, s31  }
0x9: {  	s8 =	simm.s32 $0x80;
	_ =	strace $0x80000047;
	s7 =	sor.u32 s9, s7  }
0xa: {  	s6 =	sshrl.u32 s6, $0x3;
	s4 =	smax.u32 s4, $0x1;
	s7 =	sshrl.u32 s7, $0x3  }
0xb: {  	s6 =	sadd.s32 s6, s3;
	s9 =	simm.s32 $0x400;
	s3 =	sadd.s32 s5, s7  }
0xc: {  	v0 =	vimm.f32 $0.0e+00;
	v1 =	vimm.f32 $1.000000000e+00;
	s5 =	sadd.s32 $0xD800, s6;
	s6 =	simm.s32 $0x1400;
	s7 =	simm.s32 $0x1  }
.LBB2_1:
0xd: {  	s11 =	simm.s32 $0x0  }
.LBB2_2:
0xe: {  	p0 =	sne.s32 s11, $0x4FC0  }
.Ltmp0:
0xf: {  	_ = 	snop;
	(pc) =	sbr.rel @p0 .LBB2_2-.Ltmp0, $3  }
0x10: {  	_ =	sdelay $0x1  }
0x11: {  	s12 =	sshra.s32 s11, $0x2  }
0x12: {  	s11 =	sadd.s32 $0x40, s11;
	[tilespmem:s12+$0x0] =	vst v0  }
0x13: {  	s11 =	simm.s32 $0x0  }
.LBB2_4:
0x14: {  	s12 =	sadd.s32 s11, s5  }
0x15: {  	[tilespmem:s6], [sflag:$0x1] =	stream.linear.gather [hbm4b:s12+s2], $0x190, $0x38;
	[tilespmem:$0x1600] =	vst v63  }
0x16: {  	_ =	swait.ge [sflag:s7], $0x190  }
0x17: {  	[sflag:s7] =	ssyncset.done $0x0  }
0x18: {  	[sflag:s7] =	ssyncadd.s32 $0xFFFFFE70  }
0x19: {  	v2 =	vld [tilespmem:$0x1400];
	_ =	sdelay $0x7  }
0x1a: {  	[tilespmem:v2+s2+$0x0] =	vst.idx.add.f32.msk $0xffff, v1  }
0x1b: {  	v2 =	vld [tilespmem:$0x1410];
	_ =	sdelay $0x7  }
0x1c: {  	[tilespmem:v2+s2+$0x0] =	vst.idx.add.f32.msk $0xffff, v1  }
0x1d: {  	v2 =	vld [tilespmem:$0x1420];
	_ =	sdelay $0x7  }
0x1e: {  	[tilespmem:v2+s2+$0x0] =	vst.idx.add.f32.msk $0xffff, v1  }
0x1f: {  	v2 =	vld [tilespmem:$0x1430];
	_ =	sdelay $0x7  }
0x20: {  	[tilespmem:v2+s2+$0x0] =	vst.idx.add.f32.msk $0xffff, v1  }
0x21: {  	v2 =	vld [tilespmem:$0x1440];
	_ =	sdelay $0x7  }
0x22: {  	[tilespmem:v2+s2+$0x0] =	vst.idx.add.f32.msk $0xffff, v1  }
0x23: {  	v2 =	vld [tilespmem:$0x1450];
	_ =	sdelay $0x7  }
0x24: {  	[tilespmem:v2+s2+$0x0] =	vst.idx.add.f32.msk $0xffff, v1  }
0x25: {  	v2 =	vld [tilespmem:$0x1460];
	_ =	sdelay $0x7  }
0x26: {  	[tilespmem:v2+s2+$0x0] =	vst.idx.add.f32.msk $0xffff, v1  }
0x27: {  	v2 =	vld [tilespmem:$0x1470];
	_ =	sdelay $0x7  }
0x28: {  	[tilespmem:v2+s2+$0x0] =	vst.idx.add.f32.msk $0xffff, v1  }
0x29: {  	v2 =	vld [tilespmem:$0x1480];
	_ =	sdelay $0x7  }
0x2a: {  	[tilespmem:v2+s2+$0x0] =	vst.idx.add.f32.msk $0xffff, v1  }
0x2b: {  	v2 =	vld [tilespmem:$0x1490];
	_ =	sdelay $0x7  }
0x2c: {  	[tilespmem:v2+s2+$0x0] =	vst.idx.add.f32.msk $0xffff, v1  }
0x2d: {  	v2 =	vld [tilespmem:$0x14A0];
	_ =	sdelay $0x7  }
0x2e: {  	[tilespmem:v2+s2+$0x0] =	vst.idx.add.f32.msk $0xffff, v1  }
0x2f: {  	v2 =	vld [tilespmem:$0x14B0];
	_ =	sdelay $0x7  }
0x30: {  	[tilespmem:v2+s2+$0x0] =	vst.idx.add.f32.msk $0xffff, v1  }
0x31: {  	v2 =	vld [tilespmem:$0x14C0];
	_ =	sdelay $0x7  }
0x32: {  	[tilespmem:v2+s2+$0x0] =	vst.idx.add.f32.msk $0xffff, v1  }
0x33: {  	v2 =	vld [tilespmem:$0x14D0];
	_ =	sdelay $0x7  }
0x34: {  	[tilespmem:v2+s2+$0x0] =	vst.idx.add.f32.msk $0xffff, v1  }
0x35: {  	v2 =	vld [tilespmem:$0x14E0];
	_ =	sdelay $0x7  }
0x36: {  	[tilespmem:v2+s2+$0x0] =	vst.idx.add.f32.msk $0xffff, v1  }
0x37: {  	v2 =	vld [tilespmem:$0x14F0];
	_ =	sdelay $0x7  }
0x38: {  	[tilespmem:v2+s2+$0x0] =	vst.idx.add.f32.msk $0xffff, v1  }
0x39: {  	v2 =	vld [tilespmem:$0x1500];
	_ =	sdelay $0x7  }
0x3a: {  	[tilespmem:v2+s2+$0x0] =	vst.idx.add.f32.msk $0xffff, v1  }
0x3b: {  	v2 =	vld [tilespmem:$0x1510];
	_ =	sdelay $0x7  }
0x3c: {  	[tilespmem:v2+s2+$0x0] =	vst.idx.add.f32.msk $0xffff, v1  }
0x3d: {  	v2 =	vld [tilespmem:$0x1520];
	_ =	sdelay $0x7  }
0x3e: {  	[tilespmem:v2+s2+$0x0] =	vst.idx.add.f32.msk $0xffff, v1  }
0x3f: {  	v2 =	vld [tilespmem:$0x1530];
	_ =	sdelay $0x7  }
0x40: {  	[tilespmem:v2+s2+$0x0] =	vst.idx.add.f32.msk $0xffff, v1  }
0x41: {  	v2 =	vld [tilespmem:$0x1540];
	_ =	sdelay $0x7  }
0x42: {  	[tilespmem:v2+s2+$0x0] =	vst.idx.add.f32.msk $0xffff, v1  }
0x43: {  	v2 =	vld [tilespmem:$0x1550];
	_ =	sdelay $0x7  }
0x44: {  	[tilespmem:v2+s2+$0x0] =	vst.idx.add.f32.msk $0xffff, v1  }
0x45: {  	v2 =	vld [tilespmem:$0x1560];
	_ =	sdelay $0x7  }
0x46: {  	[tilespmem:v2+s2+$0x0] =	vst.idx.add.f32.msk $0xffff, v1  }
0x47: {  	v2 =	vld [tilespmem:$0x1570];
	_ =	sdelay $0x7  }
0x48: {  	[tilespmem:v2+s2+$0x0] =	vst.idx.add.f32.msk $0xffff, v1  }
0x49: {  	v2 =	vld [tilespmem:$0x1580];
	_ =	sdelay $0x2  }
0x4a: {  	p0 =	sne.s32 s11, $0x4B0  }
.Ltmp1:
0x4b: {  	_ = 	snop;
	(pc) =	sbr.rel @p0 .LBB2_4-.Ltmp1, $2  }
0x4c: {  	_ =	sdelay $0x2  }
0x4d: {  	s11 =	sadd.s32 $0x32, s11;
	[tilespmem:v2+s2+$0x0] =	vst.idx.add.f32.msk $0xffff, v1  }
0x4e: {  	s10 =	sadd.s32 $0x1, s10  }
0x4f: {  	p0 =	sne.s32 s10, s4  }
.Ltmp2:
0x50: {  	_ = 	snop;
	(pc) =	sbr.rel @p0 .LBB2_1-.Ltmp2, $4  }
0x51: {  	[hbm4b:s3+s8] =	stream.strided.scatter [tilespmem:s2], [sflag:$0x1], $0x1400, s9, s8, $0x38;
	[tilespmem:$0x1600] =	vst v63  }
0x52: {  	_ =	swait.ge [sflag:s7], $0x1400  }
0x53: {  	[sflag:s7] =	ssyncset.done $0x0  }
0x54: {  	[sflag:s7] =	ssyncadd.s32 $0xFFFFEC00  }
0x55: {  	_ =	sfence.sel $0x180000  }
0x56: {  	[bflag:$0x0] =	sbarrier.arrive $0xFFFF  }
0x57: {  	p0 =	sne.s32 s1, $0x0;
	_ =	strace $0x90000047  }
0x58: {  	s0 =	sadd.s32 @!p0 $0x100000, s0;
	[bflag:$0x2] =	sbarrier.arrive $0xFFFF  }
0x59: {  	[sflag:s0] =	ssyncadd.tile.s32 @!p0 $0x1;
	_ =	shalt  }
.Lfunc_end2:
_tile_overlayer_lowered:
.L_overlay_start_2:
0x5a: {  	(tag) =	ssettag $0x2  }
0x5b: {  	s0 =	rddreg [dreg:$0x0];
	s2 =	stileid.u32  }
0x5c: {  	s1 =	rddreg [dreg:$0x1];
	p0 =	sne.s32 s2, $0x0  }
0x5d: {  	s3 =	rddreg [dreg:$0x2];
	[bflag:$0x3] =	sbarrier.arrive $0xFFFF;
	s2 =	simm.s32 @!p0 $0x1C01  }
0x5e: {  	[timem:s3], [sflag:s2] =	dma.local @!p0 [hbm:s0], s1  }
0x5f: {  	s0 =	simm.s32 @!p0 $0x1  }
0x60: {  	_ =	swait.ge @!p0 [sflag:s0], s1  }
0x61: {  	s1 =	ssub.s32 @!p0 $0x0, s1;
	[sflag:s0] =	ssyncset.done @!p0 $0x0  }
0x62: {  	[sflag:s0] =	ssyncadd.s32 @!p0 s1  }
0x63: {  	[bflag:$0x3] =	sbarrier.arrive $0xFFFF  }
0x64: {  	_ =	shalt  }

</sc_bundles>
